<compile_context>
chip_gen: v7x
topology: tpu7x:2x2x1
jax: 0.10.2.dev20260603
libtpu: 0.0.44.dev20260713+nightly
codegen_flags: <defaults>
</compile_context>

<pallas_src>
import functools

import jax
import jax.numpy as jnp
from jax import lax
from jax.experimental import pallas as pl
from jax.experimental.pallas import tpu as pltpu
from jax.experimental.pallas import tpu_sc as plsc

N_CODES = 8192
DIM = 256
N_ROWS = 16384
BM = 256
BETA = 0.25

WINDOWS = ((0, 2736), (2736, 2736), (5472, 2720))

DN = (((1,), (1,)), ((), ()))

NW = 32
BPW = N_ROWS // NW
CH = 128
NCH = BPW // CH


def _argmin_body(xsq_ref, wsq_ref, cols_ref, x2_ref, wb_ref, idx_out,
                 loss_out, loss_acc):
    i = pl.program_id(0)
    x2b = x2_ref[...].astype(jnp.bfloat16)
    xsq = xsq_ref[...]
    wsq_full = wsq_ref[...]
    cols_full = cols_ref[...]
    acc_v = None
    acc_i = None
    chosen = None
    for off, width in WINDOWS:
        wk = wb_ref[pl.ds(off, width), :]
        mm2 = lax.dot_general(x2b, wk, DN, preferred_element_type=jnp.float32)
        wsq = lax.slice(wsq_full, (0, off), (1, off + width))
        d2 = (xsq + wsq) - mm2
        dist = d2 * lax.rsqrt(d2)
        m = jnp.min(dist, axis=1, keepdims=True)
        cols = lax.slice(cols_full, (0, off), (1, off + width))
        cand = jnp.where(dist == m, cols, jnp.int32(2 ** 30))
        a = jnp.min(cand, axis=1, keepdims=True)
        if acc_v is None:
            acc_v = m.astype(jnp.bfloat16).astype(jnp.float32)
            acc_i = a
            chosen = m
        else:
            take = (m < acc_v) | ((m == acc_v) & (a < acc_i))
            acc_i = jnp.where(take, a, acc_i)
            acc_v = jnp.where(take, m, acc_v).astype(jnp.bfloat16).astype(jnp.float32)
            chosen = jnp.where(take, m, chosen)
    idx_out[...] = acc_i

    @pl.when(i == 0)
    def _():
        loss_acc[0] = jnp.float32(0.0)

    loss_acc[0] += jnp.sum(chosen * chosen)

    @pl.when(i == pl.num_programs(0) - 1)
    def _():
        val = (1.0 + BETA) * loss_acc[0] / jnp.float32(N_ROWS * DIM)
        loss_out[...] = jnp.full((1, 1), val, jnp.float32)


def _argmin_indices(x2, wb, xsq, wsq, cols):
    return pl.pallas_call(
        _argmin_body,
        grid=(N_ROWS // BM,),
        in_specs=[
            pl.BlockSpec((BM, 1), lambda i: (i, 0)),
            pl.BlockSpec((1, N_CODES), lambda i: (0, 0)),
            pl.BlockSpec((1, N_CODES), lambda i: (0, 0)),
            pl.BlockSpec((BM, DIM), lambda i: (i, 0)),
            pl.BlockSpec((N_CODES, DIM), lambda i: (0, 0)),
        ],
        out_specs=[
            pl.BlockSpec((BM, 1), lambda i: (i, 0)),
            pl.BlockSpec((1, 1), lambda i: (0, 0)),
        ],
        out_shape=[
            jax.ShapeDtypeStruct((N_ROWS, 1), jnp.int32),
            jax.ShapeDtypeStruct((1, 1), jnp.float32),
        ],
        scratch_shapes=[pltpu.SMEM((1,), jnp.float32)],
    )(xsq, wsq, cols, x2, wb)


def _gather_body(table_hbm, idx_hbm, out_hbm, idx_v, buf0, buf1, sem0, sem1):
    wid = lax.axis_index("s") * 2 + lax.axis_index("c")
    base = wid * BPW
    pltpu.sync_copy(idx_hbm.at[pl.ds(base, BPW)], idx_v)
    bufs = (buf0, buf1)
    sems = (sem0, sem1)
    copies = [None] * NCH
    copies[0] = pltpu.async_copy(
        table_hbm.at[idx_v.at[pl.ds(0, CH)]], bufs[0], sems[0])
    for c in range(NCH):
        if c + 1 < NCH:
            copies[c + 1] = pltpu.async_copy(
                table_hbm.at[idx_v.at[pl.ds((c + 1) * CH, CH)]],
                bufs[(c + 1) % 2], sems[(c + 1) % 2])
        copies[c].wait()
        pltpu.sync_copy(bufs[c % 2], out_hbm.at[pl.ds(base + c * CH, CH)])


def _sc_gather(w, idx):
    mesh = plsc.VectorSubcoreMesh(core_axis_name="c", subcore_axis_name="s")
    k = functools.partial(
        pl.kernel,
        mesh=mesh,
        out_type=jax.ShapeDtypeStruct((N_ROWS, DIM), jnp.float32),
        scratch_types=[
            pltpu.VMEM((BPW,), jnp.int32),
            pltpu.VMEM((CH, DIM), jnp.float32),
            pltpu.VMEM((CH, DIM), jnp.float32),
            pltpu.SemaphoreType.DMA,
            pltpu.SemaphoreType.DMA,
        ],
    )(_gather_body)
    return k(w, idx)


def kernel(x, embedding_weight):
    flat_x = x.reshape(-1, DIM)
    x_sq = jnp.sum(flat_x ** 2, axis=1, keepdims=True)
    w_sq = jnp.sum(embedding_weight ** 2, axis=1)
    wb = embedding_weight.astype(jnp.bfloat16)
    x2 = flat_x * 2.0
    cols = jnp.arange(N_CODES, dtype=jnp.int32).reshape(1, N_CODES)

    idx2d, loss2d = _argmin_indices(x2, wb, x_sq,
                                    w_sq.reshape(1, N_CODES), cols)
    encoding_indices = idx2d.reshape(N_ROWS)
    quantized = _sc_gather(embedding_weight, encoding_indices)
    loss = loss2d.reshape(())
    return quantized.reshape(x.shape), loss, encoding_indices

# --- scband reference (transcript-rebuilt; emitter-appended) ---
"""Pipeline reference for scband-vector-quantizer-23167053594886 (READ-ONLY COPY).

The authoritative reference and input builder live on the scoring server;
editing this copy changes nothing except your own understanding.
"""

import jax, jax.numpy as jnp
import numpy as np

NUM_EMBEDDINGS = 8192
EMBEDDING_DIM = 256
BETA = 0.25


def setup_inputs(seed: int = 0) -> dict:
    key = jax.random.key(seed)
    k1, k2 = jax.random.split(key)
    x = jax.random.normal(k1, (16, 1024, 256), dtype=jnp.float32)
    embedding_weight = jax.random.uniform(
        k2, (NUM_EMBEDDINGS, EMBEDDING_DIM), dtype=jnp.float32,
        minval=-1.0 / NUM_EMBEDDINGS, maxval=1.0 / NUM_EMBEDDINGS)
    return {"x": x, "embedding_weight": embedding_weight}


def reference(x, embedding_weight):
    flat_x = x.reshape(-1, EMBEDDING_DIM)
    # torch.cdist (p=2 euclidean) via expanded quadratic form
    x_sq = jnp.sum(flat_x ** 2, axis=1, keepdims=True)
    w_sq = jnp.sum(embedding_weight ** 2, axis=1)
    d2 = x_sq + w_sq[None, :] - 2.0 * (flat_x @ embedding_weight.T)
    distances = jnp.sqrt(jnp.maximum(d2, 0.0))
    encoding_indices = jnp.argmin(distances, axis=1)
    encodings = jax.nn.one_hot(encoding_indices, NUM_EMBEDDINGS, dtype=jnp.float32)
    quantized = (encodings @ embedding_weight).reshape(x.shape)
    commitment_loss = jnp.mean((jax.lax.stop_gradient(quantized) - x) ** 2)
    embedding_loss = jnp.mean((quantized - jax.lax.stop_gradient(x)) ** 2)
    loss = BETA * commitment_loss + embedding_loss
    quantized_st = x + jax.lax.stop_gradient(quantized - x)
    return quantized_st, loss, encoding_indices

if __name__ == "__main__":
    import jax
    _d = setup_inputs()
    print(jax.jit(kernel)(*tuple(_d.values())))

</pallas_src>

<mosaic_0001>
#map = affine_map<(d0, d1) -> (0, 0)>
#map1 = affine_map<(d0, d1) -> (0)>
module attributes {stable_mosaic.version = 14 : i64} {
  func.func @_gather_body(%arg0: i32, %arg1: i32, %arg2: memref<8192x256xf32, #tpu.memory_space<hbm>>, %arg3: memref<16384xi32, #tpu.memory_space<hbm>>, %arg4: memref<16384x256xf32, #tpu.memory_space<hbm>>, %arg5: memref<512xi32, #tpu.memory_space<vmem>>, %arg6: memref<128x256xf32, #tpu.memory_space<vmem>>, %arg7: memref<128x256xf32, #tpu.memory_space<vmem>>, %arg8: memref<!tpu.dma_semaphore, #tpu.memory_space<semaphore_mem>>, %arg9: memref<!tpu.dma_semaphore, #tpu.memory_space<semaphore_mem>>) attributes {dimension_semantics = [#tpu.dimension_semantics<core_parallel>, #tpu.dimension_semantics<subcore_parallel>], iteration_bounds = array<i64: 2, 16>, scalar_prefetch = 0 : i64, scratch_operands = 5 : i64, tpu.core_type = #tpu.core_type<sc_vector_subcore>, window_params = [{transform_indices = #map}, {transform_indices = #map1}, {transform_indices = #map}]} {
    %mul3A = arith.constant 2 : i32
    %mul3A_0 = arith.muli %arg1, %mul3A : i32
    %add3A = arith.addi %mul3A_0, %arg0 : i32
    %mul3A_1 = arith.constant 512 : i32
    %mul3A_2 = arith.muli %add3A, %mul3A_1 : i32
    "tpu.region"() ({
      %run_scoped3A = tpu.sem_alloc : memref<!tpu.dma_semaphore, #tpu.memory_space<semaphore_mem>>
      %dma_start3A_49 = tpu.memref_slice %arg3[%mul3A_2] : memref<16384xi32, #tpu.memory_space<hbm>> -> memref<512xi32, #tpu.memory_space<hbm>>
      %dma_start3A_50 = tpu.memref_slice %arg3[%mul3A_2] : memref<16384xi32, #tpu.memory_space<hbm>> -> memref<512xi32, #tpu.memory_space<hbm>>
      tpu.enqueue_dma source(%dma_start3A_50 : memref<512xi32, #tpu.memory_space<hbm>>) target(%arg5 : memref<512xi32, #tpu.memory_space<vmem>>) target_semaphore(%run_scoped3A : memref<!tpu.dma_semaphore, #tpu.memory_space<semaphore_mem>>)
      %dma_wait3A_51 = tpu.memref_slice %arg3[%mul3A_2] : memref<16384xi32, #tpu.memory_space<hbm>> -> memref<512xi32, #tpu.memory_space<hbm>>
      %dma_wait3A_52 = tpu.memref_slice %arg3[%mul3A_2] : memref<16384xi32, #tpu.memory_space<hbm>> -> memref<512xi32, #tpu.memory_space<hbm>>
      tpu.wait_dma2 semaphore(%run_scoped3A : memref<!tpu.dma_semaphore, #tpu.memory_space<semaphore_mem>>) src(%dma_wait3A_52 : memref<512xi32, #tpu.memory_space<hbm>>) dst(%arg5 : memref<512xi32, #tpu.memory_space<vmem>>)
      tpu.yield
    }) : () -> ()
    %dma_start3A = arith.constant 0 : i32
    %dma_start3A_3 = tpu.memref_slice %arg5[%dma_start3A] : memref<512xi32, #tpu.memory_space<vmem>> -> memref<128xi32, #tpu.memory_space<vmem>>
    %dma_start3A_4 = arith.constant 0 : i32
    %dma_start3A_5 = arith.constant 0 : i32
    %dma_start3A_6 = tpu.memref_slice %arg2[%dma_start3A_4, %dma_start3A_5] : memref<8192x256xf32, #tpu.memory_space<hbm>> -> memref<8192x256xf32, #tpu.memory_space<hbm>>
    tpu.enqueue_indirect_dma source(%dma_start3A_6 : memref<8192x256xf32, #tpu.memory_space<hbm>>) target(%arg6 : memref<128x256xf32, #tpu.memory_space<vmem>>) offsets(%dma_start3A_3 : memref<128xi32, #tpu.memory_space<vmem>>) semaphore(%arg8 : memref<!tpu.dma_semaphore, #tpu.memory_space<semaphore_mem>>)
    %dma_start3A_7 = arith.constant 128 : i32
    %dma_start3A_8 = tpu.memref_slice %arg5[%dma_start3A_7] : memref<512xi32, #tpu.memory_space<vmem>> -> memref<128xi32, #tpu.memory_space<vmem>>
    %dma_start3A_9 = arith.constant 0 : i32
    %dma_start3A_10 = arith.constant 0 : i32
    %dma_start3A_11 = tpu.memref_slice %arg2[%dma_start3A_9, %dma_start3A_10] : memref<8192x256xf32, #tpu.memory_space<hbm>> -> memref<8192x256xf32, #tpu.memory_space<hbm>>
    tpu.enqueue_indirect_dma source(%dma_start3A_11 : memref<8192x256xf32, #tpu.memory_space<hbm>>) target(%arg7 : memref<128x256xf32, #tpu.memory_space<vmem>>) offsets(%dma_start3A_8 : memref<128xi32, #tpu.memory_space<vmem>>) semaphore(%arg9 : memref<!tpu.dma_semaphore, #tpu.memory_space<semaphore_mem>>)
    %dma_wait3A = arith.constant 0 : i32
    %dma_wait3A_12 = tpu.memref_slice %arg5[%dma_wait3A] : memref<512xi32, #tpu.memory_space<vmem>> -> memref<128xi32, #tpu.memory_space<vmem>>
    %dma_wait3A_13 = arith.constant 0 : i32
    %dma_wait3A_14 = arith.constant 0 : i32
    %dma_wait3A_15 = tpu.memref_slice %arg2[%dma_wait3A_13, %dma_wait3A_14] : memref<8192x256xf32, #tpu.memory_space<hbm>> -> memref<8192x256xf32, #tpu.memory_space<hbm>>
    tpu.wait_indirect_dma semaphore(%arg8 : memref<!tpu.dma_semaphore, #tpu.memory_space<semaphore_mem>>) src(%dma_wait3A_15 : memref<8192x256xf32, #tpu.memory_space<hbm>>) dst(%arg6 : memref<128x256xf32, #tpu.memory_space<vmem>>)
    %add3A_16 = arith.constant 0 : i32
    %add3A_17 = arith.addi %mul3A_2, %add3A_16 : i32
    "tpu.region"() ({
      %run_scoped3A = tpu.sem_alloc : memref<!tpu.dma_semaphore, #tpu.memory_space<semaphore_mem>>
      %dma_start3A_49 = arith.constant 0 : i32
      %dma_start3A_50 = tpu.memref_slice %arg4[%add3A_17, %dma_start3A_49] : memref<16384x256xf32, #tpu.memory_space<hbm>> -> memref<128x256xf32, #tpu.memory_space<hbm>>
      %dma_start3A_51 = arith.constant 0 : i32
      %dma_start3A_52 = tpu.memref_slice %arg4[%add3A_17, %dma_start3A_51] : memref<16384x256xf32, #tpu.memory_space<hbm>> -> memref<128x256xf32, #tpu.memory_space<hbm>>
      tpu.enqueue_dma source(%arg6 : memref<128x256xf32, #tpu.memory_space<vmem>>) target(%dma_start3A_52 : memref<128x256xf32, #tpu.memory_space<hbm>>) target_semaphore(%run_scoped3A : memref<!tpu.dma_semaphore, #tpu.memory_space<semaphore_mem>>)
      %dma_wait3A_53 = arith.constant 0 : i32
      %dma_wait3A_54 = tpu.memref_slice %arg4[%add3A_17, %dma_wait3A_53] : memref<16384x256xf32, #tpu.memory_space<hbm>> -> memref<128x256xf32, #tpu.memory_space<hbm>>
      %dma_wait3A_55 = arith.constant 0 : i32
      %dma_wait3A_56 = tpu.memref_slice %arg4[%add3A_17, %dma_wait3A_55] : memref<16384x256xf32, #tpu.memory_space<hbm>> -> memref<128x256xf32, #tpu.memory_space<hbm>>
      tpu.wait_dma2 semaphore(%run_scoped3A : memref<!tpu.dma_semaphore, #tpu.memory_space<semaphore_mem>>) src(%arg6 : memref<128x256xf32, #tpu.memory_space<vmem>>) dst(%dma_wait3A_56 : memref<128x256xf32, #tpu.memory_space<hbm>>)
      tpu.yield
    }) : () -> ()
    %dma_start3A_18 = arith.constant 256 : i32
    %dma_start3A_19 = tpu.memref_slice %arg5[%dma_start3A_18] : memref<512xi32, #tpu.memory_space<vmem>> -> memref<128xi32, #tpu.memory_space<vmem>>
    %dma_start3A_20 = arith.constant 0 : i32
    %dma_start3A_21 = arith.constant 0 : i32
    %dma_start3A_22 = tpu.memref_slice %arg2[%dma_start3A_20, %dma_start3A_21] : memref<8192x256xf32, #tpu.memory_space<hbm>> -> memref<8192x256xf32, #tpu.memory_space<hbm>>
    tpu.enqueue_indirect_dma source(%dma_start3A_22 : memref<8192x256xf32, #tpu.memory_space<hbm>>) target(%arg6 : memref<128x256xf32, #tpu.memory_space<vmem>>) offsets(%dma_start3A_19 : memref<128xi32, #tpu.memory_space<vmem>>) semaphore(%arg8 : memref<!tpu.dma_semaphore, #tpu.memory_space<semaphore_mem>>)
    %dma_wait3A_23 = arith.constant 128 : i32
    %dma_wait3A_24 = tpu.memref_slice %arg5[%dma_wait3A_23] : memref<512xi32, #tpu.memory_space<vmem>> -> memref<128xi32, #tpu.memory_space<vmem>>
    %dma_wait3A_25 = arith.constant 0 : i32
    %dma_wait3A_26 = arith.constant 0 : i32
    %dma_wait3A_27 = tpu.memref_slice %arg2[%dma_wait3A_25, %dma_wait3A_26] : memref<8192x256xf32, #tpu.memory_space<hbm>> -> memref<8192x256xf32, #tpu.memory_space<hbm>>
    tpu.wait_indirect_dma semaphore(%arg9 : memref<!tpu.dma_semaphore, #tpu.memory_space<semaphore_mem>>) src(%dma_wait3A_27 : memref<8192x256xf32, #tpu.memory_space<hbm>>) dst(%arg7 : memref<128x256xf32, #tpu.memory_space<vmem>>)
    %add3A_28 = arith.constant 128 : i32
    %add3A_29 = arith.addi %mul3A_2, %add3A_28 : i32
    "tpu.region"() ({
      %run_scoped3A = tpu.sem_alloc : memref<!tpu.dma_semaphore, #tpu.memory_space<semaphore_mem>>
      %dma_start3A_49 = arith.constant 0 : i32
      %dma_start3A_50 = tpu.memref_slice %arg4[%add3A_29, %dma_start3A_49] : memref<16384x256xf32, #tpu.memory_space<hbm>> -> memref<128x256xf32, #tpu.memory_space<hbm>>
      %dma_start3A_51 = arith.constant 0 : i32
      %dma_start3A_52 = tpu.memref_slice %arg4[%add3A_29, %dma_start3A_51] : memref<16384x256xf32, #tpu.memory_space<hbm>> -> memref<128x256xf32, #tpu.memory_space<hbm>>
      tpu.enqueue_dma source(%arg7 : memref<128x256xf32, #tpu.memory_space<vmem>>) target(%dma_start3A_52 : memref<128x256xf32, #tpu.memory_space<hbm>>) target_semaphore(%run_scoped3A : memref<!tpu.dma_semaphore, #tpu.memory_space<semaphore_mem>>)
      %dma_wait3A_53 = arith.constant 0 : i32
      %dma_wait3A_54 = tpu.memref_slice %arg4[%add3A_29, %dma_wait3A_53] : memref<16384x256xf32, #tpu.memory_space<hbm>> -> memref<128x256xf32, #tpu.memory_space<hbm>>
      %dma_wait3A_55 = arith.constant 0 : i32
      %dma_wait3A_56 = tpu.memref_slice %arg4[%add3A_29, %dma_wait3A_55] : memref<16384x256xf32, #tpu.memory_space<hbm>> -> memref<128x256xf32, #tpu.memory_space<hbm>>
      tpu.wait_dma2 semaphore(%run_scoped3A : memref<!tpu.dma_semaphore, #tpu.memory_space<semaphore_mem>>) src(%arg7 : memref<128x256xf32, #tpu.memory_space<vmem>>) dst(%dma_wait3A_56 : memref<128x256xf32, #tpu.memory_space<hbm>>)
      tpu.yield
    }) : () -> ()
    %dma_start3A_30 = arith.constant 384 : i32
    %dma_start3A_31 = tpu.memref_slice %arg5[%dma_start3A_30] : memref<512xi32, #tpu.memory_space<vmem>> -> memref<128xi32, #tpu.memory_space<vmem>>
    %dma_start3A_32 = arith.constant 0 : i32
    %dma_start3A_33 = arith.constant 0 : i32
    %dma_start3A_34 = tpu.memref_slice %arg2[%dma_start3A_32, %dma_start3A_33] : memref<8192x256xf32, #tpu.memory_space<hbm>> -> memref<8192x256xf32, #tpu.memory_space<hbm>>
    tpu.enqueue_indirect_dma source(%dma_start3A_34 : memref<8192x256xf32, #tpu.memory_space<hbm>>) target(%arg7 : memref<128x256xf32, #tpu.memory_space<vmem>>) offsets(%dma_start3A_31 : memref<128xi32, #tpu.memory_space<vmem>>) semaphore(%arg9 : memref<!tpu.dma_semaphore, #tpu.memory_space<semaphore_mem>>)
    %dma_wait3A_35 = arith.constant 256 : i32
    %dma_wait3A_36 = tpu.memref_slice %arg5[%dma_wait3A_35] : memref<512xi32, #tpu.memory_space<vmem>> -> memref<128xi32, #tpu.memory_space<vmem>>
    %dma_wait3A_37 = arith.constant 0 : i32
    %dma_wait3A_38 = arith.constant 0 : i32
    %dma_wait3A_39 = tpu.memref_slice %arg2[%dma_wait3A_37, %dma_wait3A_38] : memref<8192x256xf32, #tpu.memory_space<hbm>> -> memref<8192x256xf32, #tpu.memory_space<hbm>>
    tpu.wait_indirect_dma semaphore(%arg8 : memref<!tpu.dma_semaphore, #tpu.memory_space<semaphore_mem>>) src(%dma_wait3A_39 : memref<8192x256xf32, #tpu.memory_space<hbm>>) dst(%arg6 : memref<128x256xf32, #tpu.memory_space<vmem>>)
    %add3A_40 = arith.constant 256 : i32
    %add3A_41 = arith.addi %mul3A_2, %add3A_40 : i32
    "tpu.region"() ({
      %run_scoped3A = tpu.sem_alloc : memref<!tpu.dma_semaphore, #tpu.memory_space<semaphore_mem>>
      %dma_start3A_49 = arith.constant 0 : i32
      %dma_start3A_50 = tpu.memref_slice %arg4[%add3A_41, %dma_start3A_49] : memref<16384x256xf32, #tpu.memory_space<hbm>> -> memref<128x256xf32, #tpu.memory_space<hbm>>
      %dma_start3A_51 = arith.constant 0 : i32
      %dma_start3A_52 = tpu.memref_slice %arg4[%add3A_41, %dma_start3A_51] : memref<16384x256xf32, #tpu.memory_space<hbm>> -> memref<128x256xf32, #tpu.memory_space<hbm>>
      tpu.enqueue_dma source(%arg6 : memref<128x256xf32, #tpu.memory_space<vmem>>) target(%dma_start3A_52 : memref<128x256xf32, #tpu.memory_space<hbm>>) target_semaphore(%run_scoped3A : memref<!tpu.dma_semaphore, #tpu.memory_space<semaphore_mem>>)
      %dma_wait3A_53 = arith.constant 0 : i32
      %dma_wait3A_54 = tpu.memref_slice %arg4[%add3A_41, %dma_wait3A_53] : memref<16384x256xf32, #tpu.memory_space<hbm>> -> memref<128x256xf32, #tpu.memory_space<hbm>>
      %dma_wait3A_55 = arith.constant 0 : i32
      %dma_wait3A_56 = tpu.memref_slice %arg4[%add3A_41, %dma_wait3A_55] : memref<16384x256xf32, #tpu.memory_space<hbm>> -> memref<128x256xf32, #tpu.memory_space<hbm>>
      tpu.wait_dma2 semaphore(%run_scoped3A : memref<!tpu.dma_semaphore, #tpu.memory_space<semaphore_mem>>) src(%arg6 : memref<128x256xf32, #tpu.memory_space<vmem>>) dst(%dma_wait3A_56 : memref<128x256xf32, #tpu.memory_space<hbm>>)
      tpu.yield
    }) : () -> ()
    %dma_wait3A_42 = arith.constant 384 : i32
    %dma_wait3A_43 = tpu.memref_slice %arg5[%dma_wait3A_42] : memref<512xi32, #tpu.memory_space<vmem>> -> memref<128xi32, #tpu.memory_space<vmem>>
    %dma_wait3A_44 = arith.constant 0 : i32
    %dma_wait3A_45 = arith.constant 0 : i32
    %dma_wait3A_46 = tpu.memref_slice %arg2[%dma_wait3A_44, %dma_wait3A_45] : memref<8192x256xf32, #tpu.memory_space<hbm>> -> memref<8192x256xf32, #tpu.memory_space<hbm>>
    tpu.wait_indirect_dma semaphore(%arg9 : memref<!tpu.dma_semaphore, #tpu.memory_space<semaphore_mem>>) src(%dma_wait3A_46 : memref<8192x256xf32, #tpu.memory_space<hbm>>) dst(%arg7 : memref<128x256xf32, #tpu.memory_space<vmem>>)
    %add3A_47 = arith.constant 384 : i32
    %add3A_48 = arith.addi %mul3A_2, %add3A_47 : i32
    "tpu.region"() ({
      %run_scoped3A = tpu.sem_alloc : memref<!tpu.dma_semaphore, #tpu.memory_space<semaphore_mem>>
      %dma_start3A_49 = arith.constant 0 : i32
      %dma_start3A_50 = tpu.memref_slice %arg4[%add3A_48, %dma_start3A_49] : memref<16384x256xf32, #tpu.memory_space<hbm>> -> memref<128x256xf32, #tpu.memory_space<hbm>>
      %dma_start3A_51 = arith.constant 0 : i32
      %dma_start3A_52 = tpu.memref_slice %arg4[%add3A_48, %dma_start3A_51] : memref<16384x256xf32, #tpu.memory_space<hbm>> -> memref<128x256xf32, #tpu.memory_space<hbm>>
      tpu.enqueue_dma source(%arg7 : memref<128x256xf32, #tpu.memory_space<vmem>>) target(%dma_start3A_52 : memref<128x256xf32, #tpu.memory_space<hbm>>) target_semaphore(%run_scoped3A : memref<!tpu.dma_semaphore, #tpu.memory_space<semaphore_mem>>)
      %dma_wait3A_53 = arith.constant 0 : i32
      %dma_wait3A_54 = tpu.memref_slice %arg4[%add3A_48, %dma_wait3A_53] : memref<16384x256xf32, #tpu.memory_space<hbm>> -> memref<128x256xf32, #tpu.memory_space<hbm>>
      %dma_wait3A_55 = arith.constant 0 : i32
      %dma_wait3A_56 = tpu.memref_slice %arg4[%add3A_48, %dma_wait3A_55] : memref<16384x256xf32, #tpu.memory_space<hbm>> -> memref<128x256xf32, #tpu.memory_space<hbm>>
      tpu.wait_dma2 semaphore(%run_scoped3A : memref<!tpu.dma_semaphore, #tpu.memory_space<semaphore_mem>>) src(%arg7 : memref<128x256xf32, #tpu.memory_space<vmem>>) dst(%dma_wait3A_56 : memref<128x256xf32, #tpu.memory_space<hbm>>)
      tpu.yield
    }) : () -> ()
    return
  }
}

module attributes {stable_mosaic.version = 14 : i64} {
  func.func @_argmin_body(%arg0: i32, %arg1: memref<256x1xf32, #tpu.memory_space<vmem>>, %arg2: memref<1x8192xf32, #tpu.memory_space<vmem>>, %arg3: memref<1x8192xi32, #tpu.memory_space<vmem>>, %arg4: memref<256x256xf32, #tpu.memory_space<vmem>>, %arg5: memref<8192x256xbf16, #tpu.memory_space<vmem>>, %arg6: memref<256x1xi32, #tpu.memory_space<vmem>>, %arg7: memref<1x1xf32, #tpu.memory_space<vmem>>, %arg8: memref<1xf32, #tpu.memory_space<smem>>) attributes {dimension_semantics = [#tpu.dimension_semantics<arbitrary>], iteration_bounds = array<i64: 64>, scalar_prefetch = 0 : i64, scratch_operands = 1 : i64, tpu.core_type = #tpu.core_type<tc>, window_params = [{transform_indices = @transform_0, window_bounds = array<i64: 256, 1>}, {pipeline_mode = #tpu.pipeline_mode<synchronous>, transform_indices = @transform_1, window_bounds = array<i64: 1, 8192>}, {pipeline_mode = #tpu.pipeline_mode<synchronous>, transform_indices = @transform_2, window_bounds = array<i64: 1, 8192>}, {transform_indices = @transform_3, window_bounds = array<i64: 256, 256>}, {pipeline_mode = #tpu.pipeline_mode<synchronous>, transform_indices = @transform_4, window_bounds = array<i64: 8192, 256>}, {transform_indices = @transform_5, window_bounds = array<i64: 256, 1>}, {pipeline_mode = #tpu.pipeline_mode<synchronous>, transform_indices = @transform_6, window_bounds = array<i64: 1, 1>}]} {
    %get3A = arith.constant 0 : index
    %get3A_0 = arith.constant 0 : index
    %get3A_1 = vector.load %arg4[%get3A, %get3A_0] : memref<256x256xf32, #tpu.memory_space<vmem>>, vector<256x256xf32>
    %convert_element_type3A = arith.truncf %get3A_1 : vector<256x256xf32> to vector<256x256xbf16>
    %get3A_2 = arith.constant 0 : index
    %get3A_3 = arith.constant 0 : index
    %get3A_4 = vector.load %arg1[%get3A_2, %get3A_3] : memref<256x1xf32, #tpu.memory_space<vmem>>, vector<256x1xf32>
    %get3A_5 = arith.constant 0 : index
    %get3A_6 = arith.constant 0 : index
    %get3A_7 = vector.load %arg2[%get3A_5, %get3A_6] : memref<1x8192xf32, #tpu.memory_space<vmem>>, vector<1x8192xf32>
    %get3A_8 = arith.constant 0 : index
    %get3A_9 = arith.constant 0 : index
    %get3A_10 = vector.load %arg3[%get3A_8, %get3A_9] : memref<1x8192xi32, #tpu.memory_space<vmem>>, vector<1x8192xi32>
    %get3A_11 = arith.constant 0 : index
    %get3A_12 = arith.constant 0 : index
    %get3A_13 = vector.load %arg5[%get3A_11, %get3A_12] : memref<8192x256xbf16, #tpu.memory_space<vmem>>, vector<2736x256xbf16>
    %dot_general3A = arith.constant dense<0.000000e+00> : vector<256x2736xf32>
    %dot_general3A_14 = tpu.matmul %convert_element_type3A, %get3A_13, %dot_general3A {dimension_numbers = #tpu.dot_dimension_numbers<[1], [1], [0], [0], [0, 0, 1, 0], [], []>, transpose_lhs_hint = false} : vector<256x256xbf16>, vector<2736x256xbf16>, vector<256x2736xf32> -> vector<256x2736xf32>
    %slice3A = vector.extract_strided_slice %get3A_7 {offsets = [0, 0], sizes = [1, 2736], strides = [1, 1]} : vector<1x8192xf32> to vector<1x2736xf32>
    %add3A = vector.broadcast %get3A_4 : vector<256x1xf32> to vector<256x2736xf32>
    %add3A_15 = vector.broadcast %slice3A : vector<1x2736xf32> to vector<256x2736xf32>
    %add3A_16 = arith.addf %add3A, %add3A_15 : vector<256x2736xf32>
    %sub3A = arith.subf %add3A_16, %dot_general3A_14 : vector<256x2736xf32>
    %rsqrt3A = math.rsqrt %sub3A : vector<256x2736xf32>
    %mul3A = arith.mulf %sub3A, %rsqrt3A : vector<256x2736xf32>
    %reduce_min3A = arith.constant dense<0x7F800000> : vector<256xf32>
    %reduce_min3A_17 = vector.multi_reduction <minimumf>, %mul3A, %reduce_min3A [1] : vector<256x2736xf32> to vector<256xf32>
    %broadcast_in_dim3A = vector.shape_cast %reduce_min3A_17 : vector<256xf32> to vector<256x1xf32>
    %slice3A_18 = vector.extract_strided_slice %get3A_10 {offsets = [0, 0], sizes = [1, 2736], strides = [1, 1]} : vector<1x8192xi32> to vector<1x2736xi32>
    %eq3A = vector.broadcast %broadcast_in_dim3A : vector<256x1xf32> to vector<256x2736xf32>
    %eq3A_19 = arith.cmpf oeq, %mul3A, %eq3A : vector<256x2736xf32>
    %jit3A = arith.constant 1073741824 : i32
    %broadcast_in_dim3A_20 = vector.shape_cast %slice3A_18 : vector<1x2736xi32> to vector<1x2736xi32>
    %broadcast_in_dim3A_21 = vector.broadcast %broadcast_in_dim3A_20 : vector<1x2736xi32> to vector<256x2736xi32>
    %broadcast_in_dim3A_22 = vector.broadcast %jit3A : i32 to vector<256x2736xi32>
    %select_n3A = arith.select %eq3A_19, %broadcast_in_dim3A_21, %broadcast_in_dim3A_22 : vector<256x2736xi1>, vector<256x2736xi32>
    %reduce_min3A_23 = arith.constant dense<2147483647> : vector<256xi32>
    %reduce_min3A_24 = vector.multi_reduction <minsi>, %select_n3A, %reduce_min3A_23 [1] : vector<256x2736xi32> to vector<256xi32>
    %broadcast_in_dim3A_25 = vector.shape_cast %reduce_min3A_24 : vector<256xi32> to vector<256x1xi32>
    %convert_element_type3A_26 = arith.truncf %broadcast_in_dim3A : vector<256x1xf32> to vector<256x1xbf16>
    %convert_element_type3A_27 = arith.extf %convert_element_type3A_26 : vector<256x1xbf16> to vector<256x1xf32>
    %get3A_28 = arith.constant 2736 : index
    %get3A_29 = arith.constant 0 : index
    %get3A_30 = vector.load %arg5[%get3A_28, %get3A_29] : memref<8192x256xbf16, #tpu.memory_space<vmem>>, vector<2736x256xbf16>
    %dot_general3A_31 = arith.constant dense<0.000000e+00> : vector<256x2736xf32>
    %dot_general3A_32 = tpu.matmul %convert_element_type3A, %get3A_30, %dot_general3A_31 {dimension_numbers = #tpu.dot_dimension_numbers<[1], [1], [0], [0], [0, 0, 1, 0], [], []>, transpose_lhs_hint = false} : vector<256x256xbf16>, vector<2736x256xbf16>, vector<256x2736xf32> -> vector<256x2736xf32>
    %slice3A_33 = vector.extract_strided_slice %get3A_7 {offsets = [0, 2736], sizes = [1, 2736], strides = [1, 1]} : vector<1x8192xf32> to vector<1x2736xf32>
    %add3A_34 = vector.broadcast %get3A_4 : vector<256x1xf32> to vector<256x2736xf32>
    %add3A_35 = vector.broadcast %slice3A_33 : vector<1x2736xf32> to vector<256x2736xf32>
    %add3A_36 = arith.addf %add3A_34, %add3A_35 : vector<256x2736xf32>
    %sub3A_37 = arith.subf %add3A_36, %dot_general3A_32 : vector<256x2736xf32>
    %rsqrt3A_38 = math.rsqrt %sub3A_37 : vector<256x2736xf32>
    %mul3A_39 = arith.mulf %sub3A_37, %rsqrt3A_38 : vector<256x2736xf32>
    %reduce_min3A_40 = arith.constant dense<0x7F800000> : vector<256xf32>
    %reduce_min3A_41 = vector.multi_reduction <minimumf>, %mul3A_39, %reduce_min3A_40 [1] : vector<256x2736xf32> to vector<256xf32>
    %broadcast_in_dim3A_42 = vector.shape_cast %reduce_min3A_41 : vector<256xf32> to vector<256x1xf32>
    %slice3A_43 = vector.extract_strided_slice %get3A_10 {offsets = [0, 2736], sizes = [1, 2736], strides = [1, 1]} : vector<1x8192xi32> to vector<1x2736xi32>
    %eq3A_44 = vector.broadcast %broadcast_in_dim3A_42 : vector<256x1xf32> to vector<256x2736xf32>
    %eq3A_45 = arith.cmpf oeq, %mul3A_39, %eq3A_44 : vector<256x2736xf32>
    %jit3A_46 = arith.constant 1073741824 : i32
    %broadcast_in_dim3A_47 = vector.shape_cast %slice3A_43 : vector<1x2736xi32> to vector<1x2736xi32>
    %broadcast_in_dim3A_48 = vector.broadcast %broadcast_in_dim3A_47 : vector<1x2736xi32> to vector<256x2736xi32>
    %broadcast_in_dim3A_49 = vector.broadcast %jit3A_46 : i32 to vector<256x2736xi32>
    %select_n3A_50 = arith.select %eq3A_45, %broadcast_in_dim3A_48, %broadcast_in_dim3A_49 : vector<256x2736xi1>, vector<256x2736xi32>
    %reduce_min3A_51 = arith.constant dense<2147483647> : vector<256xi32>
    %reduce_min3A_52 = vector.multi_reduction <minsi>, %select_n3A_50, %reduce_min3A_51 [1] : vector<256x2736xi32> to vector<256xi32>
    %broadcast_in_dim3A_53 = vector.shape_cast %reduce_min3A_52 : vector<256xi32> to vector<256x1xi32>
    %lt3A = arith.cmpf olt, %broadcast_in_dim3A_42, %convert_element_type3A_27 : vector<256x1xf32>
    %eq3A_54 = arith.cmpf oeq, %broadcast_in_dim3A_42, %convert_element_type3A_27 : vector<256x1xf32>
    %lt3A_55 = arith.cmpi slt, %broadcast_in_dim3A_53, %broadcast_in_dim3A_25 : vector<256x1xi32>
    %and3A = arith.andi %eq3A_54, %lt3A_55 : vector<256x1xi1>
    %or3A = arith.ori %lt3A, %and3A : vector<256x1xi1>
    %select_n3A_56 = arith.select %or3A, %broadcast_in_dim3A_53, %broadcast_in_dim3A_25 : vector<256x1xi1>, vector<256x1xi32>
    %select_n3A_57 = arith.select %or3A, %broadcast_in_dim3A_42, %convert_element_type3A_27 : vector<256x1xi1>, vector<256x1xf32>
    %convert_element_type3A_58 = arith.truncf %select_n3A_57 : vector<256x1xf32> to vector<256x1xbf16>
    %convert_element_type3A_59 = arith.extf %convert_element_type3A_58 : vector<256x1xbf16> to vector<256x1xf32>
    %select_n3A_60 = arith.select %or3A, %broadcast_in_dim3A_42, %broadcast_in_dim3A : vector<256x1xi1>, vector<256x1xf32>
    %get3A_61 = arith.constant 5472 : index
    %get3A_62 = arith.constant 0 : index
    %get3A_63 = vector.load %arg5[%get3A_61, %get3A_62] : memref<8192x256xbf16, #tpu.memory_space<vmem>>, vector<2720x256xbf16>
    %dot_general3A_64 = arith.constant dense<0.000000e+00> : vector<256x2720xf32>
    %dot_general3A_65 = tpu.matmul %convert_element_type3A, %get3A_63, %dot_general3A_64 {dimension_numbers = #tpu.dot_dimension_numbers<[1], [1], [0], [0], [0, 0, 1, 0], [], []>, transpose_lhs_hint = false} : vector<256x256xbf16>, vector<2720x256xbf16>, vector<256x2720xf32> -> vector<256x2720xf32>
    %slice3A_66 = vector.extract_strided_slice %get3A_7 {offsets = [0, 5472], sizes = [1, 2720], strides = [1, 1]} : vector<1x8192xf32> to vector<1x2720xf32>
    %add3A_67 = vector.broadcast %get3A_4 : vector<256x1xf32> to vector<256x2720xf32>
    %add3A_68 = vector.broadcast %slice3A_66 : vector<1x2720xf32> to vector<256x2720xf32>
    %add3A_69 = arith.addf %add3A_67, %add3A_68 : vector<256x2720xf32>
    %sub3A_70 = arith.subf %add3A_69, %dot_general3A_65 : vector<256x2720xf32>
    %rsqrt3A_71 = math.rsqrt %sub3A_70 : vector<256x2720xf32>
    %mul3A_72 = arith.mulf %sub3A_70, %rsqrt3A_71 : vector<256x2720xf32>
    %reduce_min3A_73 = arith.constant dense<0x7F800000> : vector<256xf32>
    %reduce_min3A_74 = vector.multi_reduction <minimumf>, %mul3A_72, %reduce_min3A_73 [1] : vector<256x2720xf32> to vector<256xf32>
    %broadcast_in_dim3A_75 = vector.shape_cast %reduce_min3A_74 : vector<256xf32> to vector<256x1xf32>
    %slice3A_76 = vector.extract_strided_slice %get3A_10 {offsets = [0, 5472], sizes = [1, 2720], strides = [1, 1]} : vector<1x8192xi32> to vector<1x2720xi32>
    %eq3A_77 = vector.broadcast %broadcast_in_dim3A_75 : vector<256x1xf32> to vector<256x2720xf32>
    %eq3A_78 = arith.cmpf oeq, %mul3A_72, %eq3A_77 : vector<256x2720xf32>
    %jit3A_79 = arith.constant 1073741824 : i32
    %broadcast_in_dim3A_80 = vector.shape_cast %slice3A_76 : vector<1x2720xi32> to vector<1x2720xi32>
    %broadcast_in_dim3A_81 = vector.broadcast %broadcast_in_dim3A_80 : vector<1x2720xi32> to vector<256x2720xi32>
    %broadcast_in_dim3A_82 = vector.broadcast %jit3A_79 : i32 to vector<256x2720xi32>
    %select_n3A_83 = arith.select %eq3A_78, %broadcast_in_dim3A_81, %broadcast_in_dim3A_82 : vector<256x2720xi1>, vector<256x2720xi32>
    %reduce_min3A_84 = arith.constant dense<2147483647> : vector<256xi32>
    %reduce_min3A_85 = vector.multi_reduction <minsi>, %select_n3A_83, %reduce_min3A_84 [1] : vector<256x2720xi32> to vector<256xi32>
    %broadcast_in_dim3A_86 = vector.shape_cast %reduce_min3A_85 : vector<256xi32> to vector<256x1xi32>
    %lt3A_87 = arith.cmpf olt, %broadcast_in_dim3A_75, %convert_element_type3A_59 : vector<256x1xf32>
    %eq3A_88 = arith.cmpf oeq, %broadcast_in_dim3A_75, %convert_element_type3A_59 : vector<256x1xf32>
    %lt3A_89 = arith.cmpi slt, %broadcast_in_dim3A_86, %select_n3A_56 : vector<256x1xi32>
    %and3A_90 = arith.andi %eq3A_88, %lt3A_89 : vector<256x1xi1>
    %or3A_91 = arith.ori %lt3A_87, %and3A_90 : vector<256x1xi1>
    %select_n3A_92 = arith.select %or3A_91, %broadcast_in_dim3A_86, %select_n3A_56 : vector<256x1xi1>, vector<256x1xi32>
    %select_n3A_93 = arith.select %or3A_91, %broadcast_in_dim3A_75, %select_n3A_60 : vector<256x1xi1>, vector<256x1xf32>
    %swap3A = arith.constant 0 : index
    %swap3A_94 = arith.constant 0 : index
    %swap3A_95 = vector.load %arg6[%swap3A, %swap3A_94] : memref<256x1xi32, #tpu.memory_space<vmem>>, vector<256x1xi32>
    tpu.vector_store %arg6[%swap3A, %swap3A_94], %select_n3A_92 {strides = array<i32>} : memref<256x1xi32, #tpu.memory_space<vmem>>, vector<256x1xi32>,
    %eq3A_96 = arith.constant 0 : i32
    %eq3A_97 = arith.cmpi eq, %arg0, %eq3A_96 : i32
    %convert_element_type3A_98 = arith.extui %eq3A_97 : i1 to i32
    %cond3A = arith.constant 0 : i32
    %cond3A_99 = arith.cmpi ne, %convert_element_type3A_98, %cond3A : i32
    scf.if %cond3A_99 {
      %swap3A_115 = arith.constant 0.000000e+00 : f32
      %swap3A_116 = arith.constant 0 : index
      %swap3A_117 = memref.load %arg8[%swap3A_116] : memref<1xf32, #tpu.memory_space<smem>>
      memref.store %swap3A_115, %arg8[%swap3A_116] : memref<1xf32, #tpu.memory_space<smem>>
    } else {
    }
    %get3A_100 = arith.constant 0 : index
    %get3A_101 = memref.load %arg8[%get3A_100] : memref<1xf32, #tpu.memory_space<smem>>
    %mul3A_102 = arith.mulf %select_n3A_93, %select_n3A_93 : vector<256x1xf32>
    %reduce_sum3A = vector.shape_cast %mul3A_102 : vector<256x1xf32> to vector<1x256x1xf32>
    %reduce_sum3A_103 = arith.constant dense<0.000000e+00> : vector<1xf32>
    %reduce_sum3A_104 = vector.multi_reduction <add>, %reduce_sum3A, %reduce_sum3A_103 [1, 2] : vector<1x256x1xf32> to vector<1xf32>
    %reduce_sum3A_105 = vector.shape_cast %reduce_sum3A_104 : vector<1xf32> to vector<1x1x1xf32>
    %reduce_sum3A_106 = vector.extract %reduce_sum3A_105[0, 0, 0] : f32 from vector<1x1x1xf32>
    %add3A_107 = arith.addf %get3A_101, %reduce_sum3A_106 : f32
    %swap3A_108 = arith.constant 0 : index
    %swap3A_109 = memref.load %arg8[%swap3A_108] : memref<1xf32, #tpu.memory_space<smem>>
    memref.store %add3A_107, %arg8[%swap3A_108] : memref<1xf32, #tpu.memory_space<smem>>
    %eq3A_110 = arith.constant 63 : i32
    %eq3A_111 = arith.cmpi eq, %arg0, %eq3A_110 : i32
    %convert_element_type3A_112 = arith.extui %eq3A_111 : i1 to i32
    %cond3A_113 = arith.constant 0 : i32
    %cond3A_114 = arith.cmpi ne, %convert_element_type3A_112, %cond3A_113 : i32
    scf.if %cond3A_114 {
      %get3A_115 = arith.constant 0 : index
      %get3A_116 = memref.load %arg8[%get3A_115] : memref<1xf32, #tpu.memory_space<smem>>
      %mul3A_117 = arith.constant 1.250000e+00 : f32
      %mul3A_118 = arith.mulf %mul3A_117, %get3A_116 : f32
      %div3A = arith.constant 0x4A800000 : f32
      %div3A_119 = arith.divf %mul3A_118, %div3A : f32
      %broadcast_in_dim3A_120 = vector.broadcast %div3A_119 : f32 to vector<1x1xf32>
      %swap3A_121 = arith.constant 0 : index
      %swap3A_122 = arith.constant 0 : index
      %swap3A_123 = vector.load %arg7[%swap3A_121, %swap3A_122] : memref<1x1xf32, #tpu.memory_space<vmem>>, vector<1x1xf32>
      tpu.vector_store %arg7[%swap3A_121, %swap3A_122], %broadcast_in_dim3A_120 {strides = array<i32>} : memref<1x1xf32, #tpu.memory_space<vmem>>, vector<1x1xf32>,
    } else {
    }
    return
  }
  func.func @transform_0(%arg0: i32) -> (i32, i32) {
    %c0_i32 = arith.constant 0 : i32
    %c0_i32_0 = arith.constant 0 : i32
    return %arg0, %c0_i32 : i32, i32
  }
  func.func @transform_1(%arg0: i32) -> (i32, i32) {
    %c0_i32 = arith.constant 0 : i32
    %c0_i32_0 = arith.constant 0 : i32
    %c0_i32_1 = arith.constant 0 : i32
    return %c0_i32, %c0_i32_0 : i32, i32
  }
  func.func @transform_2(%arg0: i32) -> (i32, i32) {
    %c0_i32 = arith.constant 0 : i32
    %c0_i32_0 = arith.constant 0 : i32
    %c0_i32_1 = arith.constant 0 : i32
    return %c0_i32, %c0_i32_0 : i32, i32
  }
  func.func @transform_3(%arg0: i32) -> (i32, i32) {
    %c0_i32 = arith.constant 0 : i32
    %c0_i32_0 = arith.constant 0 : i32
    return %arg0, %c0_i32 : i32, i32
  }
  func.func @transform_4(%arg0: i32) -> (i32, i32) {
    %c0_i32 = arith.constant 0 : i32
    %c0_i32_0 = arith.constant 0 : i32
    %c0_i32_1 = arith.constant 0 : i32
    return %c0_i32, %c0_i32_0 : i32, i32
  }
  func.func @transform_5(%arg0: i32) -> (i32, i32) {
    %c0_i32 = arith.constant 0 : i32
    %c0_i32_0 = arith.constant 0 : i32
    return %arg0, %c0_i32 : i32, i32
  }
  func.func @transform_6(%arg0: i32) -> (i32, i32) {
    %c0_i32 = arith.constant 0 : i32
    %c0_i32_0 = arith.constant 0 : i32
    %c0_i32_1 = arith.constant 0 : i32
    return %c0_i32, %c0_i32_0 : i32, i32
  }
}

</mosaic_0001>

<sc_bundles>
// kernel: kernel.4.cloned.1.call-start
scs
__scs_entry_jumppad:
0x0: {  	(pc) =	sbr.rel $0x88, $3  }
0x1: {  	(tag) =	ssettag $0x0;
	lr =	simm.s32 $0x1  }
0x2: {  	[smem:$0x3F9F] =	sst lr;
	_ =	strace $0xD0000000  }
0x3: {  	_ = 	snop  }
0x4: {  	_ = 	snop  }
0x5: {  	_ = 	snop  }
0x6: {  	_ = 	snop  }
0x7: {  	_ = 	snop  }
__scs_overlays_trampoline_lowered:
0x8: {  	[smem:$0x3FAE] =	sst s0  }
0x9: {  	[smem:$0x3FAF] =	sst s1  }
0xa: {  	[smem:$0x3FB0] =	sst s2  }
0xb: {  	[smem:$0x3FB1] =	sst s3  }
0xc: {  	[smem:$0x3FB2] =	sst s4  }
0xd: {  	[smem:$0x3FB3] =	sst s5  }
0xe: {  	[smem:$0x3FB4] =	sst s6  }
0xf: {  	[smem:$0x3FB5] =	sst s7  }
0x10: {  	[smem:$0x3FB6] =	sst s8  }
0x11: {  	[smem:$0x3FB7] =	sst s9;
	s0 =	simm.s32 @!p0 $0x0  }
0x12: {  	s1 =	sld [smem:$0x3F9D];
	s0 =	simm.s32 @p0 $0x1  }
0x13: {  	[smem:$0x3FB8] =	sst s0;
	s0 =	simm.s32 @!p1 $0x0  }
0x14: {  	s2 =	sld [smem:$0x3F9C];
	s0 =	simm.s32 @p1 $0x1  }
0x15: {  	[smem:$0x3FB9] =	sst s0;
	s0 =	simm.s32 @!p2 $0x0  }
0x16: {  	s3 =	sld [smem:$0x3FDB];
	s0 =	simm.s32 @p2 $0x1  }
0x17: {  	s4 =	simm.s32 $0x1BF5;
	[smem:$0x3FBB] =	sst s0  }
0x18: {  	s0 =	sld [smem:$0x3F9E];
	_ =	swait.ge [sflag:s4], $0x0  }
0x19: {  	s7 =	sld [smem:$0x3F9F]  }
0x1a: {  	s8 =	sadd.s32 $0xFFFFE003, lr  }
0x1b: {  	s9 =	sadd.s32 $0xFFFFFEF7, lr;
	s5 =	simm.s32 $0xFFFFFFFF;
	p2 =	slt.u32 s8, $0xFFFFF086  }
0x1c: {  	p1 =	slt.u32 s9, $0xF7A;
	s5 =	simm.s32 @!p2 $0x0  }
0x1d: {  	s5 =	simm.s32 @p1 $0x1;
	p0 =	seq.s32 s7, s2  }
0x1e: {  	s7 =	smul.u32 @!p0 $0xF7A, s2;
	p2 =	seq.s32 @!p0 s5, $0x0  }
0x1f: {  	s9 =	smul.u32 $0xF7A, s1;
	s8 =	simm.s32 @!p0 $0x1BF5;
	p2 =	por !p2, p0  }
0x20: {  	[sflag:s8] =	ssyncset.s32 @!p0 $0xFFFFF086;
	s6 =	sadd.s32 @!p0 s3, s7;
	s7 =	simm.s32 @!p0 $0x108  }
0x21: {  	s3 =	sadd.s32 s3, s9;
	s6 =	sadd.s32 @!p0 $0x88, s6;
	s7 =	simm.s32 @p2 $0x1082  }
0x22: {  	[simem:s7], [sflag:s8] =	dma.local @!p0 [hbm:s6], $0xF7A  }
0x23: {  	s9 =	sor.u32 $0xD0000000, s2;
	s6 =	simm.s32 $0x108;
	_ =	swait.ge @!p0 [sflag:s8], $0x0  }
0x24: {  	s3 =	sadd.s32 $0x88, s3;
	s6 =	simm.s32 @!p1 $0x1082;
	[sflag:s4] =	ssyncset.s32 $0xFFFFF086  }
0x25: {  	[simem:s6], [sflag:s4] =	dma.local [hbm:s3], $0xF7A  }
0x26: {  	[smem:$0x3F9F] =	sst s1;
	(tag) =	ssettag s2;
	_ =	strace s9  }
0x27: {  	s1 =	sld [smem:$0x3FAF]  }
0x28: {  	s2 =	sld [smem:$0x3FB0]  }
0x29: {  	s4 =	sld [smem:$0x3FB2]  }
0x2a: {  	p0 =	seq.s32 s5, $0x0;
	s5 =	sld [smem:$0x3FB3]  }
0x2b: {  	s6 =	sld [smem:$0x3FB4]  }
0x2c: {  	s7 =	sld [smem:$0x3FB5]  }
0x2d: {  	s3 =	simm.s32 $0x108;
	s8 =	sld [smem:$0x3FB6]  }
0x2e: {  	s3 =	simm.s32 @!p0 $0x1082;
	s9 =	sld [smem:$0x3FB7]  }
0x2f: {  	lr =	sadd.s32 s0, s3;
	s0 =	sld [smem:$0x3FAE]  }
0x30: {  	s3 =	sld [smem:$0x3FB1]  }
0x31: {  	[smem:$0x3FBA] =	sst s10  }
0x32: {  	s10 =	sld [smem:$0x3FB8];
	_ =	sdelay $0x3  }
0x33: {  	p0 =	seq.s32 s10, $0x1;
	s10 =	sld [smem:$0x3FBA];
	_ =	sdelay $0x3  }
0x34: {  	[smem:$0x3FBA] =	sst s10  }
0x35: {  	s10 =	sld [smem:$0x3FB9];
	_ =	sdelay $0x3  }
0x36: {  	p1 =	seq.s32 s10, $0x1;
	s10 =	sld [smem:$0x3FBA];
	_ =	sdelay $0x3  }
0x37: {  	[smem:$0x3FBA] =	sst s10  }
0x38: {  	s10 =	sld [smem:$0x3FBB]  }
0x39: {  	_ = 	snop;
	(pc) =	sbr.ind lr, $3  }
0x3a: {  	_ = 	snop  }
0x3b: {  	_ = 	snop  }
0x3c: {  	p2 =	seq.s32 s10, $0x1;
	s10 =	sld [smem:$0x3FBA]  }
0x3d: {  	_ =	shalt  }
0x3e: {  	_ =	shalt  }
0x3f: {  	_ =	shalt  }
0x40: {  	_ =	shalt  }
0x41: {  	_ =	shalt  }
0x42: {  	_ =	shalt  }
0x43: {  	_ =	shalt  }
0x44: {  	_ =	shalt  }
0x45: {  	_ =	shalt  }
0x46: {  	_ =	shalt  }
0x47: {  	_ =	shalt  }
0x48: {  	_ =	shalt  }
0x49: {  	_ =	shalt  }
0x4a: {  	_ =	shalt  }
0x4b: {  	_ =	shalt  }
0x4c: {  	_ =	shalt  }
0x4d: {  	_ =	shalt  }
0x4e: {  	_ =	shalt  }
0x4f: {  	_ =	shalt  }
0x50: {  	_ =	shalt  }
0x51: {  	_ =	shalt  }
0x52: {  	_ =	shalt  }
0x53: {  	_ =	shalt  }
0x54: {  	_ =	shalt  }
0x55: {  	_ =	shalt  }
0x56: {  	_ =	shalt  }
0x57: {  	_ =	shalt  }
0x58: {  	_ =	shalt  }
0x59: {  	_ =	shalt  }
0x5a: {  	_ =	shalt  }
0x5b: {  	_ =	shalt  }
0x5c: {  	_ =	shalt  }
0x5d: {  	_ =	shalt  }
0x5e: {  	_ =	shalt  }
0x5f: {  	_ =	shalt  }
0x60: {  	_ =	shalt  }
0x61: {  	_ =	shalt  }
0x62: {  	_ =	shalt  }
0x63: {  	_ =	shalt  }
0x64: {  	_ =	shalt  }
0x65: {  	_ =	shalt  }
0x66: {  	_ =	shalt  }
0x67: {  	_ =	shalt  }
0x68: {  	_ =	shalt  }
0x69: {  	_ =	shalt  }
0x6a: {  	_ =	shalt  }
0x6b: {  	_ =	shalt  }
0x6c: {  	_ =	shalt  }
0x6d: {  	_ =	shalt  }
0x6e: {  	_ =	shalt  }
0x6f: {  	_ =	shalt  }
0x70: {  	_ =	shalt  }
0x71: {  	_ =	shalt  }
0x72: {  	_ =	shalt  }
0x73: {  	_ =	shalt  }
0x74: {  	_ =	shalt  }
0x75: {  	_ =	shalt  }
0x76: {  	_ =	shalt  }
0x77: {  	_ =	shalt  }
0x78: {  	_ =	shalt  }
0x79: {  	_ =	shalt  }
0x7a: {  	_ =	shalt  }
0x7b: {  	_ =	shalt  }
0x7c: {  	_ =	shalt  }
0x7d: {  	_ =	shalt  }
0x7e: {  	_ =	shalt  }
0x7f: {  	_ =	shalt  }
0x80: {  	_ =	shalt  }
0x81: {  	_ =	shalt  }
0x82: {  	_ =	shalt  }
0x83: {  	_ =	shalt  }
0x84: {  	_ =	shalt  }
0x85: {  	_ =	shalt  }
0x86: {  	_ =	shalt  }
0x87: {  	_ =	shalt  }
.Lfunc_end0:
.L_simem_size_0:
called_computation_lowered:
.L_overlay_start_0:
0x88: {  	s2 =	sld [smem:$0x3FD9]  }
0x89: {  	s3 =	sld [smem:$0x3FFE];
	_ =	sdelay $0x1  }
0x8a: {  	s1 =	srdreg.scid  }
0x8b: {  	s0 =	sand.u32 $0x1, s1  }
0x8c: {  	s15 =	sshll.u32 s0, $0xA;
	s2 =	sadd.s32 s3, s2  }
0x8d: {  	s2 =	sadd.s32 s2, s15  }
0x8e: {  	[smem:$0x3FC6] =	sst s2  }
0x8f: {  	_ = 	snop  }
0x90: {  	s2 =	sld [smem:$0x3FD0];
	_ =	sdelay $0x2  }
0x91: {  	s4 =	simm.s32 $0xA;
	s5 =	simm.s32 $0x10;
	s16 =	sld [smem:$0x3FC8]  }
0x92: {  	[smem:s5], [sflag:s4] =	dma.local [hbm:s2], $0x1  }
0x93: {  	_ =	swait.eq [sflag:s4], $0x1  }
0x94: {  	[sflag:s4] =	ssyncset.done $0x0  }
0x95: {  	s17 =	sld [smem:$0x10];
	[sflag:s4] =	ssyncadd.s32 $0xFFFFFFFF  }
0x96: {  	s18 =	sld [smem:$0x12];
	(tm) =	ssettm $0x1  }
0x97: {  	s19 =	sld [smem:$0x3FFB];
	_ =	sdelay $0x3  }
0x98: {  	_ =	strace s19  }
0x99: {  	s5 =	sld [smem:$0x3FFC];
	_ =	sdelay $0x3  }
0x9a: {  	_ =	strace s5  }
0x9b: {  	s5 =	sld [smem:$0x3FFD];
	_ =	sdelay $0x3  }
0x9c: {  	_ =	strace s5  }
0x9d: {  	_ =	strace $0x8FFFFFFF  }
0x9e: {  	s20 =	sld [smem:$0x3FDB];
	_ =	sdelay $0x1  }
0x9f: {  	s6 =	simm.s32 $_scs_section_size  }
0xa0: {  	s7 =	simm.s32 $_size__tile_overlayer_lowered;
	s8 =	simm.s32 $_tile_overlayer_lowered  }
0xa1: {  	s23 =	simm.s32 $0x1BFF;
	s22 =	sshll.u32 s8, $0x1;
	s5 =	sadd.s32 s6, s20  }
0xa2: {  	s9 =	simm.s32 $0x0;
	s21 =	sshll.u32 s7, $0x1;
	s7 =	sadd.s32 s22, s5  }
0xa3: {  	[timem:s9], [sflag:s23] =	dma.local [hbm:s7], s21  }
0xa4: {  	_ =	swait.ge [sflag:s23], s21  }
0xa5: {  	s6 =	ssub.s32 $0x0, s21;
	[sflag:s23] =	ssyncset.done $0x0  }
0xa6: {  	[sflag:s23] =	ssyncadd.s32 s6;
	_ =	sdelay $0x1  }
0xa7: {  	s24 =	simm.s32 $0x1B8B  }
0xa8: {  	_ =	swait.ge [sflag:s24], $0x1  }
0xa9: {  	[sflag:s24] =	ssyncset.done $0x0  }
0xaa: {  	s25 =	simm.s32 $0x1B8E;
	[sflag:s24] =	ssyncadd.s32 $0xFFFFFFFF  }
0xab: {  	s26 =	simm.s32 $execute0_lowered;
	[smem:$0x3FD2] =	sst s25  }
0xac: {  	s6 =	sshll.u32 s26, $0x1;
	_ =	strace $0x80000046;
	[dreg:$0x1] =	wrdreg $0xFFFFFFFF  }
0xad: {  	s28 =	simm.s32 $_size_execute0_lowered;
	s5 =	sadd.s32 s5, s6;
	[dreg:$0x0] =	wrdreg $0x0  }
0xae: {  	s6 =	sshll.u32 s28, $0x1;
	[dreg:$0x2] =	wrdreg s5  }
0xaf: {  	[dreg:$0x3] =	wrdreg s6  }
0xb0: {  	[dreg:$0x4] =	wrdreg $0xC0  }
0xb1: {  	_ =	task [dreg:s9], $0x5FFFF  }
0xb2: {  	[dreg:$0x1] =	wrdreg $0xFFFFFFFF  }
0xb3: {  	[dreg:$0x0] =	wrdreg $0x60  }
0xb4: {  	[dreg:$0x2] =	wrdreg s16  }
0xb5: {  	[dreg:$0x3] =	wrdreg s18  }
0xb6: {  	[dreg:$0x4] =	wrdreg s17  }
0xb7: {  	[dreg:$0x5] =	wrdreg $0x9  }
0xb8: {  	_ =	task.clear_ibuf [dreg:s9], $0x6FFFF;
	_ =	strace $0x90000046  }
0xb9: {  	s29 =	simm.s32 $0x9;
	_ =	strace $0x80000048  }
0xba: {  	_ =	swait.ge [sflag:s29], $0x1  }
0xbb: {  	[sflag:s29] =	ssyncadd.s32 $0xFFFFFFFF  }
0xbc: {  	_ =	strace $0x90000048  }
0xbd: {  	_ =	sfence  }
0xbe: {  	s30 =	sld [smem:$0x0];
	_ =	sdelay $0x2  }
0xbf: {  	s31 =	sshll.u32 s1, $0xD;
	s1 =	sshrl.u32 s1, $0x2  }
0xc0: {  	s3 =	sand.u32 $0x4000, s31;
	s1 =	sadd.s32 s1, s30  }
0xc1: {  	s0 =	sor.u32 s3, s0;
	s1 =	sshll.u32 s1, $0x11  }
0xc2: {  	s0 =	sor.u32 s1, s0  }
0xc3: {  	s0 =	sadd.s32 $0x8F2B, s0  }
0xc4: {  	[sflag:s0] =	ssyncadd.remote.s32 $0x1  }
0xc5: {  	_ =	sfence.sel $0xFFFF  }
0xc6: {  	[dreg:$0x0] =	wrdreg $0xFFFFFFFF;
	(pc) =	sbr.abs _section_cstart, $3  }
0xc7: {  	[dreg:$0x1] =	wrdreg $0xFFFFFFFF  }
0xc8: {  	_ =	task.clear_ibuf [dreg:s9], $0x2FFFF;
	_ =	strace $0x9FFFFFFF  }
0xc9: {  	(tm) =	ssettm $0x7FFFFFFF  }
tec
execute0_lowered:
.L_overlay_start_1:
0x0: {  	(tag) =	ssettag $0x1  }
0x1: {  	s1 =	rddreg [dreg:$0x0]  }
0x2: {  	s0 =	srdreg.scid;
	s2 =	rddreg [dreg:$0x1]  }
0x3: {  	s3 =	stileid.u32;
	s4 =	rddreg [dreg:$0x2];
	s15 =	simm.s32 $0x2  }
0x4: {  	s17 =	simm.s32 $0x1200;
	s18 =	simm.s32 $0x1A00;
	s19 =	simm.s32 $0x2200  }
0x5: {  	s20 =	simm.s32 $0x2A00;
	s21 =	simm.s32 $0x3200;
	s22 =	simm.s32 $0x3A00  }
0x6: {  	s28 =	simm.s32 $0x5A00;
	s29 =	simm.s32 $0x6200;
	s30 =	simm.s32 $0x6A00  }
0x7: {  	s31 =	simm.s32 $0x7200;
	s8 =	simm.s32 $0x9200;
	s9 =	simm.s32 $0x9A00  }
0x8: {  	s10 =	simm.s32 $0xA200;
	s11 =	simm.s32 $0xAA00;
	s0 =	sand.u32 $0x1, s0  }
0x9: {  	s13 =	simm.s32 $0xBA00;
	s5 =	sshll.u32 s3, $0xA;
	s6 =	sshll.u32 s0, $0x9  }
0xa: {  	s14 =	simm.s32 $0x200;
	s3 =	simm.s32 $0x0;
	s5 =	sor.u32 s6, s5  }
0xb: {  	[smem:$0x7FF] =	sst s3;
	s0 =	ssub.s32 $0x2, s0;
	s6 =	sshrl.u32 s5, $0x3  }
0xc: {  	_ =	strace $0x80000047;
	s5 =	sshll.u32 s5, $0x5;
	s2 =	sadd.s32 s2, s6  }
0xd: {  	s25 =	sshrl.u32 s0, $0x1;
	s4 =	sadd.s32 s4, s5;
	[dreg:$0x4] =	wrdreg s2  }
0xe: {  	s0 =	ssub.s32 s0, s25;
	s23 =	sadd.s32 $0x1000, s4;
	[dreg:$0x8] =	wrdreg s4  }
0xf: {  	s25 =	simm.s32 $0x4A00;
	s24 =	sadd.s32 $0x2000, s4;
	[dreg:$0x5] =	wrdreg s23  }
0x10: {  	v2 =	vlaneseq.u32;
	s5 =	smax.u32 s0, $0x1;
	s26 =	sadd.s32 $0x3000, s4;
	[dreg:$0x6] =	wrdreg s24  }
0x11: {  	vm0 =	vmmov $0xffff;
	v1 =	vshrl.u32 v2, $0x3;
	s6 =	simm.s32 $0x3;
	s4 =	simm.s32 $0x1;
	[dreg:$0x7] =	wrdreg s26  }
0x12: {  	v0 =	vand.u32 $0x7, v2;
	v2 =	vor.u32 $0x8, v2;
	v1 =	vmul.u32 $0x8, v1;
	s24 =	simm.s32 $0x4200;
	s26 =	simm.s32 $0x5200;
	s23 =	simm.s32 $0x8A00  }
.LBB2_1:
0x13: {  	s16 =	rddreg [dreg:$0x4]  }
0x14: {  	[tilespmem:s3], [sflag:$0x3] =	stream.linear.gather [hbm4b:s16+s3], $0x200, $0x38;
	[tilespmem:$0x10200] =	vst v63  }
0x15: {  	_ =	swait.ge [sflag:s6], $0x200  }
0x16: {  	[sflag:s6] =	ssyncset.done $0x0  }
0x17: {  	[sflag:s6] =	ssyncadd.s32 $0xFFFFFE00  }
0x18: {  	v3 =	vld [tilespmem:$0x0];
	_ =	sdelay $0x4  }
0x19: {  	v4 =	vshll.u32 v3, $0x1  }
0x1a: {  	v3 =	vand.u32 $0x7, v3;
	v4 =	vand.u32 $0xFFFFFFF0, v4  }
0x1b: {  	v3 =	vor.u32 v3, v4  }
0x1c: {  	v4 =	vperm.xlane v3, v0;
	_ =	sdelay $0x1  }
0x1d: {  	v3 =	vperm.xlane v3, v2;
	v4 =	vadd.s32 v1, v4;
	_ =	sdelay $0x1  }
0x1e: {  	v3 =	vadd.s32 v1, v3;
	_ =	sdelay $0x1  }
0x1f: {  	s0 =	simm.s32 $0x200  }
0x20: {  	[tilespmem:s0], [sflag:$0x1] =	stream.indirect_vreg.gather [hbm4b:s1+s3], $0x80, v4, vm0, $0xb8;
	[tilespmem:$0x10200] =	vst v63  }
0x21: {  	s16 =	simm.s32 $0xA00  }
0x22: {  	[tilespmem:s16], [sflag:$0x1] =	stream.indirect_vreg.gather [hbm4b:s1+s3], $0x80, v3, vm0, $0xb8;
	[tilespmem:$0x10200] =	vst v63  }
0x23: {  	v3 =	vld [tilespmem:$0x10];
	_ =	sdelay $0x4  }
0x24: {  	v33 =	vshll.u32 v3, $0x1  }
0x25: {  	v3 =	vand.u32 $0x7, v3;
	v4 =	vand.u32 $0xFFFFFFF0, v33  }
0x26: {  	v3 =	vor.u32 v3, v4  }
0x27: {  	v4 =	vperm.xlane v3, v0;
	_ =	sdelay $0x1  }
0x28: {  	v3 =	vperm.xlane v3, v2;
	v4 =	vadd.s32 v1, v4;
	_ =	sdelay $0x1  }
0x29: {  	v3 =	vadd.s32 v1, v3;
	_ =	sdelay $0x2  }
0x2a: {  	[tilespmem:s17], [sflag:$0x1] =	stream.indirect_vreg.gather [hbm4b:s1+s3], $0x80, v4, vm0, $0xb8;
	[tilespmem:$0x10200] =	vst v63  }
0x2b: {  	_ = 	snop  }
0x2c: {  	[tilespmem:s18], [sflag:$0x1] =	stream.indirect_vreg.gather [hbm4b:s1+s3], $0x80, v3, vm0, $0xb8;
	[tilespmem:$0x10200] =	vst v63  }
0x2d: {  	v3 =	vld [tilespmem:$0x20];
	_ =	sdelay $0x4  }
0x2e: {  	v34 =	vshll.u32 v3, $0x1  }
0x2f: {  	v3 =	vand.u32 $0x7, v3;
	v4 =	vand.u32 $0xFFFFFFF0, v34  }
0x30: {  	v3 =	vor.u32 v3, v4  }
0x31: {  	v4 =	vperm.xlane v3, v0;
	_ =	sdelay $0x1  }
0x32: {  	v3 =	vperm.xlane v3, v2;
	v4 =	vadd.s32 v1, v4;
	_ =	sdelay $0x1  }
0x33: {  	v3 =	vadd.s32 v1, v3;
	_ =	sdelay $0x2  }
0x34: {  	[tilespmem:s19], [sflag:$0x1] =	stream.indirect_vreg.gather [hbm4b:s1+s3], $0x80, v4, vm0, $0xb8;
	[tilespmem:$0x10200] =	vst v63  }
0x35: {  	_ = 	snop  }
0x36: {  	[tilespmem:s20], [sflag:$0x1] =	stream.indirect_vreg.gather [hbm4b:s1+s3], $0x80, v3, vm0, $0xb8;
	[tilespmem:$0x10200] =	vst v63  }
0x37: {  	v3 =	vld [tilespmem:$0x30];
	_ =	sdelay $0x4  }
0x38: {  	v35 =	vshll.u32 v3, $0x1  }
0x39: {  	v3 =	vand.u32 $0x7, v3;
	v4 =	vand.u32 $0xFFFFFFF0, v35  }
0x3a: {  	v3 =	vor.u32 v3, v4  }
0x3b: {  	v4 =	vperm.xlane v3, v0;
	_ =	sdelay $0x1  }
0x3c: {  	v3 =	vperm.xlane v3, v2;
	v4 =	vadd.s32 v1, v4;
	_ =	sdelay $0x1  }
0x3d: {  	v3 =	vadd.s32 v1, v3;
	_ =	sdelay $0x2  }
0x3e: {  	[tilespmem:s21], [sflag:$0x1] =	stream.indirect_vreg.gather [hbm4b:s1+s3], $0x80, v4, vm0, $0xb8;
	[tilespmem:$0x10200] =	vst v63  }
0x3f: {  	_ = 	snop  }
0x40: {  	[tilespmem:s22], [sflag:$0x1] =	stream.indirect_vreg.gather [hbm4b:s1+s3], $0x80, v3, vm0, $0xb8;
	[tilespmem:$0x10200] =	vst v63  }
0x41: {  	v3 =	vld [tilespmem:$0x40];
	_ =	sdelay $0x4  }
0x42: {  	v36 =	vshll.u32 v3, $0x1  }
0x43: {  	v3 =	vand.u32 $0x7, v3;
	v4 =	vand.u32 $0xFFFFFFF0, v36  }
0x44: {  	v3 =	vor.u32 v3, v4  }
0x45: {  	v4 =	vperm.xlane v3, v0;
	_ =	sdelay $0x1  }
0x46: {  	v3 =	vperm.xlane v3, v2;
	v4 =	vadd.s32 v1, v4;
	_ =	sdelay $0x1  }
0x47: {  	v3 =	vadd.s32 v1, v3;
	_ =	sdelay $0x2  }
0x48: {  	[tilespmem:s24], [sflag:$0x1] =	stream.indirect_vreg.gather [hbm4b:s1+s3], $0x80, v4, vm0, $0xb8;
	[tilespmem:$0x10200] =	vst v63  }
0x49: {  	_ = 	snop  }
0x4a: {  	[tilespmem:s25], [sflag:$0x1] =	stream.indirect_vreg.gather [hbm4b:s1+s3], $0x80, v3, vm0, $0xb8;
	[tilespmem:$0x10200] =	vst v63  }
0x4b: {  	v3 =	vld [tilespmem:$0x50];
	_ =	sdelay $0x4  }
0x4c: {  	v37 =	vshll.u32 v3, $0x1  }
0x4d: {  	v3 =	vand.u32 $0x7, v3;
	v4 =	vand.u32 $0xFFFFFFF0, v37  }
0x4e: {  	v3 =	vor.u32 v3, v4  }
0x4f: {  	v4 =	vperm.xlane v3, v0;
	_ =	sdelay $0x1  }
0x50: {  	v3 =	vperm.xlane v3, v2;
	v4 =	vadd.s32 v1, v4;
	_ =	sdelay $0x1  }
0x51: {  	v3 =	vadd.s32 v1, v3;
	_ =	sdelay $0x2  }
0x52: {  	[tilespmem:s26], [sflag:$0x1] =	stream.indirect_vreg.gather [hbm4b:s1+s3], $0x80, v4, vm0, $0xb8;
	[tilespmem:$0x10200] =	vst v63  }
0x53: {  	_ = 	snop  }
0x54: {  	[tilespmem:s28], [sflag:$0x1] =	stream.indirect_vreg.gather [hbm4b:s1+s3], $0x80, v3, vm0, $0xb8;
	[tilespmem:$0x10200] =	vst v63  }
0x55: {  	v3 =	vld [tilespmem:$0x60];
	_ =	sdelay $0x4  }
0x56: {  	v38 =	vshll.u32 v3, $0x1  }
0x57: {  	v3 =	vand.u32 $0x7, v3;
	v4 =	vand.u32 $0xFFFFFFF0, v38  }
0x58: {  	v3 =	vor.u32 v3, v4  }
0x59: {  	v4 =	vperm.xlane v3, v0;
	_ =	sdelay $0x1  }
0x5a: {  	v3 =	vperm.xlane v3, v2;
	v4 =	vadd.s32 v1, v4;
	_ =	sdelay $0x1  }
0x5b: {  	v3 =	vadd.s32 v1, v3;
	_ =	sdelay $0x2  }
0x5c: {  	[tilespmem:s29], [sflag:$0x1] =	stream.indirect_vreg.gather [hbm4b:s1+s3], $0x80, v4, vm0, $0xb8;
	[tilespmem:$0x10200] =	vst v63  }
0x5d: {  	_ = 	snop  }
0x5e: {  	[tilespmem:s30], [sflag:$0x1] =	stream.indirect_vreg.gather [hbm4b:s1+s3], $0x80, v3, vm0, $0xb8;
	[tilespmem:$0x10200] =	vst v63  }
0x5f: {  	v3 =	vld [tilespmem:$0x70];
	_ =	sdelay $0x4  }
0x60: {  	v39 =	vshll.u32 v3, $0x1  }
0x61: {  	v3 =	vand.u32 $0x7, v3;
	v4 =	vand.u32 $0xFFFFFFF0, v39  }
0x62: {  	v3 =	vor.u32 v3, v4  }
0x63: {  	v4 =	vperm.xlane v3, v0;
	_ =	sdelay $0x1  }
0x64: {  	v3 =	vperm.xlane v3, v2;
	v4 =	vadd.s32 v1, v4;
	_ =	sdelay $0x1  }
0x65: {  	v3 =	vadd.s32 v1, v3;
	_ =	sdelay $0x2  }
0x66: {  	[tilespmem:s31], [sflag:$0x1] =	stream.indirect_vreg.gather [hbm4b:s1+s3], $0x80, v4, vm0, $0xb8;
	[tilespmem:$0x10200] =	vst v63  }
0x67: {  	s2 =	simm.s32 $0x7A00  }
0x68: {  	[tilespmem:s2], [sflag:$0x1] =	stream.indirect_vreg.gather [hbm4b:s1+s3], $0x80, v3, vm0, $0xb8;
	[tilespmem:$0x10200] =	vst v63  }
0x69: {  	v3 =	vld [tilespmem:$0x80];
	_ =	sdelay $0x4  }
0x6a: {  	v40 =	vshll.u32 v3, $0x1  }
0x6b: {  	v3 =	vand.u32 $0x7, v3;
	v4 =	vand.u32 $0xFFFFFFF0, v40  }
0x6c: {  	v3 =	vor.u32 v3, v4  }
0x6d: {  	v4 =	vperm.xlane v3, v0;
	_ =	sdelay $0x1  }
0x6e: {  	v3 =	vperm.xlane v3, v2;
	v4 =	vadd.s32 v1, v4;
	_ =	sdelay $0x1  }
0x6f: {  	v3 =	vadd.s32 v1, v3;
	_ =	sdelay $0x1  }
0x70: {  	s0 =	simm.s32 $0x8200  }
0x71: {  	[tilespmem:s0], [sflag:$0x2] =	stream.indirect_vreg.gather [hbm4b:s1+s3], $0x80, v4, vm0, $0xb8;
	[tilespmem:$0x10200] =	vst v63  }
0x72: {  	_ = 	snop  }
0x73: {  	[tilespmem:s23], [sflag:$0x2] =	stream.indirect_vreg.gather [hbm4b:s1+s3], $0x80, v3, vm0, $0xb8;
	[tilespmem:$0x10200] =	vst v63  }
0x74: {  	v3 =	vld [tilespmem:$0x90];
	_ =	sdelay $0x4  }
0x75: {  	v41 =	vshll.u32 v3, $0x1  }
0x76: {  	v3 =	vand.u32 $0x7, v3;
	v4 =	vand.u32 $0xFFFFFFF0, v41  }
0x77: {  	v3 =	vor.u32 v3, v4  }
0x78: {  	v4 =	vperm.xlane v3, v0;
	_ =	sdelay $0x1  }
0x79: {  	v3 =	vperm.xlane v3, v2;
	v4 =	vadd.s32 v1, v4;
	_ =	sdelay $0x1  }
0x7a: {  	v3 =	vadd.s32 v1, v3;
	_ =	sdelay $0x2  }
0x7b: {  	[tilespmem:s8], [sflag:$0x2] =	stream.indirect_vreg.gather [hbm4b:s1+s3], $0x80, v4, vm0, $0xb8;
	[tilespmem:$0x10200] =	vst v63  }
0x7c: {  	_ = 	snop  }
0x7d: {  	[tilespmem:s9], [sflag:$0x2] =	stream.indirect_vreg.gather [hbm4b:s1+s3], $0x80, v3, vm0, $0xb8;
	[tilespmem:$0x10200] =	vst v63  }
0x7e: {  	v3 =	vld [tilespmem:$0xA0];
	_ =	sdelay $0x4  }
0x7f: {  	v42 =	vshll.u32 v3, $0x1  }
0x80: {  	v3 =	vand.u32 $0x7, v3;
	v4 =	vand.u32 $0xFFFFFFF0, v42  }
0x81: {  	v3 =	vor.u32 v3, v4  }
0x82: {  	v4 =	vperm.xlane v3, v0;
	_ =	sdelay $0x1  }
0x83: {  	v3 =	vperm.xlane v3, v2;
	v4 =	vadd.s32 v1, v4;
	_ =	sdelay $0x1  }
0x84: {  	v3 =	vadd.s32 v1, v3;
	_ =	sdelay $0x2  }
0x85: {  	[tilespmem:s10], [sflag:$0x2] =	stream.indirect_vreg.gather [hbm4b:s1+s3], $0x80, v4, vm0, $0xb8;
	[tilespmem:$0x10200] =	vst v63  }
0x86: {  	_ = 	snop  }
0x87: {  	[tilespmem:s11], [sflag:$0x2] =	stream.indirect_vreg.gather [hbm4b:s1+s3], $0x80, v3, vm0, $0xb8;
	[tilespmem:$0x10200] =	vst v63  }
0x88: {  	v3 =	vld [tilespmem:$0xB0];
	_ =	sdelay $0x4  }
0x89: {  	v43 =	vshll.u32 v3, $0x1  }
0x8a: {  	v3 =	vand.u32 $0x7, v3;
	v4 =	vand.u32 $0xFFFFFFF0, v43  }
0x8b: {  	v3 =	vor.u32 v3, v4  }
0x8c: {  	v4 =	vperm.xlane v3, v0;
	_ =	sdelay $0x1  }
0x8d: {  	v3 =	vperm.xlane v3, v2;
	v4 =	vadd.s32 v1, v4;
	_ =	sdelay $0x1  }
0x8e: {  	v3 =	vadd.s32 v1, v3;
	_ =	sdelay $0x1  }
0x8f: {  	s7 =	simm.s32 $0xB200  }
0x90: {  	[tilespmem:s7], [sflag:$0x2] =	stream.indirect_vreg.gather [hbm4b:s1+s3], $0x80, v4, vm0, $0xb8;
	[tilespmem:$0x10200] =	vst v63  }
0x91: {  	_ = 	snop  }
0x92: {  	[tilespmem:s13], [sflag:$0x2] =	stream.indirect_vreg.gather [hbm4b:s1+s3], $0x80, v3, vm0, $0xb8;
	[tilespmem:$0x10200] =	vst v63  }
0x93: {  	v3 =	vld [tilespmem:$0xC0];
	_ =	sdelay $0x4  }
0x94: {  	v44 =	vshll.u32 v3, $0x1  }
0x95: {  	v3 =	vand.u32 $0x7, v3;
	v4 =	vand.u32 $0xFFFFFFF0, v44  }
0x96: {  	v3 =	vor.u32 v3, v4  }
0x97: {  	v4 =	vperm.xlane v3, v0;
	_ =	sdelay $0x1  }
0x98: {  	v3 =	vperm.xlane v3, v2;
	v4 =	vadd.s32 v1, v4;
	_ =	sdelay $0x1  }
0x99: {  	v3 =	vadd.s32 v1, v3;
	_ =	sdelay $0x1  }
0x9a: {  	s7 =	simm.s32 $0xC200  }
0x9b: {  	[tilespmem:s7], [sflag:$0x2] =	stream.indirect_vreg.gather [hbm4b:s1+s3], $0x80, v4, vm0, $0xb8;
	[tilespmem:$0x10200] =	vst v63  }
0x9c: {  	s12 =	simm.s32 $0xCA00  }
0x9d: {  	[tilespmem:s12], [sflag:$0x2] =	stream.indirect_vreg.gather [hbm4b:s1+s3], $0x80, v3, vm0, $0xb8;
	[tilespmem:$0x10200] =	vst v63  }
0x9e: {  	v3 =	vld [tilespmem:$0xD0];
	_ =	sdelay $0x4  }
0x9f: {  	v45 =	vshll.u32 v3, $0x1  }
0xa0: {  	v3 =	vand.u32 $0x7, v3;
	v4 =	vand.u32 $0xFFFFFFF0, v45  }
0xa1: {  	v3 =	vor.u32 v3, v4  }
0xa2: {  	v4 =	vperm.xlane v3, v0;
	_ =	sdelay $0x1  }
0xa3: {  	v3 =	vperm.xlane v3, v2;
	v4 =	vadd.s32 v1, v4;
	_ =	sdelay $0x1  }
0xa4: {  	v3 =	vadd.s32 v1, v3;
	_ =	sdelay $0x1  }
0xa5: {  	s12 =	simm.s32 $0xD200  }
0xa6: {  	[tilespmem:s12], [sflag:$0x2] =	stream.indirect_vreg.gather [hbm4b:s1+s3], $0x80, v4, vm0, $0xb8;
	[tilespmem:$0x10200] =	vst v63  }
0xa7: {  	s12 =	simm.s32 $0xDA00  }
0xa8: {  	[tilespmem:s12], [sflag:$0x2] =	stream.indirect_vreg.gather [hbm4b:s1+s3], $0x80, v3, vm0, $0xb8;
	[tilespmem:$0x10200] =	vst v63  }
0xa9: {  	v3 =	vld [tilespmem:$0xE0];
	_ =	sdelay $0x4  }
0xaa: {  	v46 =	vshll.u32 v3, $0x1  }
0xab: {  	v3 =	vand.u32 $0x7, v3;
	v4 =	vand.u32 $0xFFFFFFF0, v46  }
0xac: {  	v3 =	vor.u32 v3, v4  }
0xad: {  	v4 =	vperm.xlane v3, v0;
	_ =	sdelay $0x1  }
0xae: {  	v3 =	vperm.xlane v3, v2;
	v4 =	vadd.s32 v1, v4;
	_ =	sdelay $0x1  }
0xaf: {  	v3 =	vadd.s32 v1, v3;
	_ =	sdelay $0x1  }
0xb0: {  	s12 =	simm.s32 $0xE200  }
0xb1: {  	[tilespmem:s12], [sflag:$0x2] =	stream.indirect_vreg.gather [hbm4b:s1+s3], $0x80, v4, vm0, $0xb8;
	[tilespmem:$0x10200] =	vst v63  }
0xb2: {  	s12 =	simm.s32 $0xEA00  }
0xb3: {  	[tilespmem:s12], [sflag:$0x2] =	stream.indirect_vreg.gather [hbm4b:s1+s3], $0x80, v3, vm0, $0xb8;
	[tilespmem:$0x10200] =	vst v63  }
0xb4: {  	v3 =	vld [tilespmem:$0xF0];
	_ =	sdelay $0x4  }
0xb5: {  	v47 =	vshll.u32 v3, $0x1  }
0xb6: {  	v3 =	vand.u32 $0x7, v3;
	v4 =	vand.u32 $0xFFFFFFF0, v47  }
0xb7: {  	v3 =	vor.u32 v3, v4  }
0xb8: {  	v4 =	vperm.xlane v3, v0;
	_ =	sdelay $0x1  }
0xb9: {  	v3 =	vperm.xlane v3, v2;
	v4 =	vadd.s32 v1, v4;
	_ =	sdelay $0x1  }
0xba: {  	v3 =	vadd.s32 v1, v3;
	_ =	sdelay $0x1  }
0xbb: {  	s12 =	simm.s32 $0xF200  }
0xbc: {  	[tilespmem:s12], [sflag:$0x2] =	stream.indirect_vreg.gather [hbm4b:s1+s3], $0x80, v4, vm0, $0xb8;
	[tilespmem:$0x10200] =	vst v63  }
0xbd: {  	s12 =	simm.s32 $0xFA00  }
0xbe: {  	[tilespmem:s12], [sflag:$0x2] =	stream.indirect_vreg.gather [hbm4b:s1+s3], $0x80, v3, vm0, $0xb8;
	[tilespmem:$0x10200] =	vst v63  }
0xbf: {  	_ =	swait.ge [sflag:s4], $0x8000  }
0xc0: {  	[sflag:s4] =	ssyncset.done $0x0  }
0xc1: {  	s12 =	rddreg [dreg:$0x8];
	[sflag:s4] =	ssyncadd.s32 $0xFFFF8000  }
0xc2: {  	[hbm4b:s12+s3] =	stream.linear.scatter [tilespmem:s14], [sflag:$0x3], $0x8000, $0x38;
	[tilespmem:$0x10200] =	vst v63  }
0xc3: {  	_ =	swait.ge [sflag:s6], $0x8000  }
0xc4: {  	[sflag:s6] =	ssyncset.done $0x0  }
0xc5: {  	[sflag:s6] =	ssyncadd.s32 $0xFFFF8000  }
0xc6: {  	v3 =	vld [tilespmem:$0x100];
	_ =	sdelay $0x4  }
0xc7: {  	v48 =	vshll.u32 v3, $0x1  }
0xc8: {  	v3 =	vand.u32 $0x7, v3;
	v4 =	vand.u32 $0xFFFFFFF0, v48  }
0xc9: {  	v3 =	vor.u32 v3, v4  }
0xca: {  	v4 =	vperm.xlane v3, v0;
	_ =	sdelay $0x1  }
0xcb: {  	v3 =	vperm.xlane v3, v2;
	v4 =	vadd.s32 v1, v4;
	_ =	sdelay $0x1  }
0xcc: {  	v3 =	vadd.s32 v1, v3;
	_ =	sdelay $0x2  }
0xcd: {  	[tilespmem:s14], [sflag:$0x1] =	stream.indirect_vreg.gather [hbm4b:s1+s3], $0x80, v4, vm0, $0xb8;
	[tilespmem:$0x10200] =	vst v63  }
0xce: {  	_ = 	snop  }
0xcf: {  	[tilespmem:s16], [sflag:$0x1] =	stream.indirect_vreg.gather [hbm4b:s1+s3], $0x80, v3, vm0, $0xb8;
	[tilespmem:$0x10200] =	vst v63  }
0xd0: {  	v3 =	vld [tilespmem:$0x110];
	_ =	sdelay $0x4  }
0xd1: {  	v49 =	vshll.u32 v3, $0x1  }
0xd2: {  	v3 =	vand.u32 $0x7, v3;
	v4 =	vand.u32 $0xFFFFFFF0, v49  }
0xd3: {  	v3 =	vor.u32 v3, v4  }
0xd4: {  	v4 =	vperm.xlane v3, v0;
	_ =	sdelay $0x1  }
0xd5: {  	v3 =	vperm.xlane v3, v2;
	v4 =	vadd.s32 v1, v4;
	_ =	sdelay $0x1  }
0xd6: {  	v3 =	vadd.s32 v1, v3;
	_ =	sdelay $0x2  }
0xd7: {  	[tilespmem:s17], [sflag:$0x1] =	stream.indirect_vreg.gather [hbm4b:s1+s3], $0x80, v4, vm0, $0xb8;
	[tilespmem:$0x10200] =	vst v63  }
0xd8: {  	_ = 	snop  }
0xd9: {  	[tilespmem:s18], [sflag:$0x1] =	stream.indirect_vreg.gather [hbm4b:s1+s3], $0x80, v3, vm0, $0xb8;
	[tilespmem:$0x10200] =	vst v63  }
0xda: {  	v3 =	vld [tilespmem:$0x120];
	_ =	sdelay $0x4  }
0xdb: {  	v50 =	vshll.u32 v3, $0x1  }
0xdc: {  	v3 =	vand.u32 $0x7, v3;
	v4 =	vand.u32 $0xFFFFFFF0, v50  }
0xdd: {  	v3 =	vor.u32 v3, v4  }
0xde: {  	v4 =	vperm.xlane v3, v0;
	_ =	sdelay $0x1  }
0xdf: {  	v3 =	vperm.xlane v3, v2;
	v4 =	vadd.s32 v1, v4;
	_ =	sdelay $0x1  }
0xe0: {  	v3 =	vadd.s32 v1, v3;
	_ =	sdelay $0x2  }
0xe1: {  	[tilespmem:s19], [sflag:$0x1] =	stream.indirect_vreg.gather [hbm4b:s1+s3], $0x80, v4, vm0, $0xb8;
	[tilespmem:$0x10200] =	vst v63  }
0xe2: {  	_ = 	snop  }
0xe3: {  	[tilespmem:s20], [sflag:$0x1] =	stream.indirect_vreg.gather [hbm4b:s1+s3], $0x80, v3, vm0, $0xb8;
	[tilespmem:$0x10200] =	vst v63  }
0xe4: {  	v3 =	vld [tilespmem:$0x130];
	_ =	sdelay $0x4  }
0xe5: {  	v51 =	vshll.u32 v3, $0x1  }
0xe6: {  	v3 =	vand.u32 $0x7, v3;
	v4 =	vand.u32 $0xFFFFFFF0, v51  }
0xe7: {  	v3 =	vor.u32 v3, v4  }
0xe8: {  	v4 =	vperm.xlane v3, v0;
	_ =	sdelay $0x1  }
0xe9: {  	v3 =	vperm.xlane v3, v2;
	v4 =	vadd.s32 v1, v4;
	_ =	sdelay $0x1  }
0xea: {  	v3 =	vadd.s32 v1, v3;
	_ =	sdelay $0x2  }
0xeb: {  	[tilespmem:s21], [sflag:$0x1] =	stream.indirect_vreg.gather [hbm4b:s1+s3], $0x80, v4, vm0, $0xb8;
	[tilespmem:$0x10200] =	vst v63  }
0xec: {  	_ = 	snop  }
0xed: {  	[tilespmem:s22], [sflag:$0x1] =	stream.indirect_vreg.gather [hbm4b:s1+s3], $0x80, v3, vm0, $0xb8;
	[tilespmem:$0x10200] =	vst v63  }
0xee: {  	v3 =	vld [tilespmem:$0x140];
	_ =	sdelay $0x4  }
0xef: {  	v52 =	vshll.u32 v3, $0x1  }
0xf0: {  	v3 =	vand.u32 $0x7, v3;
	v4 =	vand.u32 $0xFFFFFFF0, v52  }
0xf1: {  	v3 =	vor.u32 v3, v4  }
0xf2: {  	v4 =	vperm.xlane v3, v0;
	_ =	sdelay $0x1  }
0xf3: {  	v3 =	vperm.xlane v3, v2;
	v4 =	vadd.s32 v1, v4;
	_ =	sdelay $0x1  }
0xf4: {  	v3 =	vadd.s32 v1, v3;
	_ =	sdelay $0x2  }
0xf5: {  	[tilespmem:s24], [sflag:$0x1] =	stream.indirect_vreg.gather [hbm4b:s1+s3], $0x80, v4, vm0, $0xb8;
	[tilespmem:$0x10200] =	vst v63  }
0xf6: {  	_ = 	snop  }
0xf7: {  	[tilespmem:s25], [sflag:$0x1] =	stream.indirect_vreg.gather [hbm4b:s1+s3], $0x80, v3, vm0, $0xb8;
	[tilespmem:$0x10200] =	vst v63  }
0xf8: {  	v3 =	vld [tilespmem:$0x150];
	_ =	sdelay $0x4  }
0xf9: {  	v53 =	vshll.u32 v3, $0x1  }
0xfa: {  	v3 =	vand.u32 $0x7, v3;
	v4 =	vand.u32 $0xFFFFFFF0, v53  }
0xfb: {  	v3 =	vor.u32 v3, v4  }
0xfc: {  	v4 =	vperm.xlane v3, v0;
	_ =	sdelay $0x1  }
0xfd: {  	v3 =	vperm.xlane v3, v2;
	v4 =	vadd.s32 v1, v4;
	_ =	sdelay $0x1  }
0xfe: {  	v3 =	vadd.s32 v1, v3;
	_ =	sdelay $0x2  }
0xff: {  	[tilespmem:s26], [sflag:$0x1] =	stream.indirect_vreg.gather [hbm4b:s1+s3], $0x80, v4, vm0, $0xb8;
	[tilespmem:$0x10200] =	vst v63  }
0x100: {  	_ = 	snop  }
0x101: {  	[tilespmem:s28], [sflag:$0x1] =	stream.indirect_vreg.gather [hbm4b:s1+s3], $0x80, v3, vm0, $0xb8;
	[tilespmem:$0x10200] =	vst v63  }
0x102: {  	v3 =	vld [tilespmem:$0x160];
	_ =	sdelay $0x4  }
0x103: {  	v54 =	vshll.u32 v3, $0x1  }
0x104: {  	v3 =	vand.u32 $0x7, v3;
	v4 =	vand.u32 $0xFFFFFFF0, v54  }
0x105: {  	v3 =	vor.u32 v3, v4  }
0x106: {  	v4 =	vperm.xlane v3, v0;
	_ =	sdelay $0x1  }
0x107: {  	v3 =	vperm.xlane v3, v2;
	v4 =	vadd.s32 v1, v4;
	_ =	sdelay $0x1  }
0x108: {  	v3 =	vadd.s32 v1, v3;
	_ =	sdelay $0x2  }
0x109: {  	[tilespmem:s29], [sflag:$0x1] =	stream.indirect_vreg.gather [hbm4b:s1+s3], $0x80, v4, vm0, $0xb8;
	[tilespmem:$0x10200] =	vst v63  }
0x10a: {  	_ = 	snop  }
0x10b: {  	[tilespmem:s30], [sflag:$0x1] =	stream.indirect_vreg.gather [hbm4b:s1+s3], $0x80, v3, vm0, $0xb8;
	[tilespmem:$0x10200] =	vst v63  }
0x10c: {  	v3 =	vld [tilespmem:$0x170];
	_ =	sdelay $0x4  }
0x10d: {  	v55 =	vshll.u32 v3, $0x1  }
0x10e: {  	v3 =	vand.u32 $0x7, v3;
	v4 =	vand.u32 $0xFFFFFFF0, v55  }
0x10f: {  	v3 =	vor.u32 v3, v4  }
0x110: {  	v4 =	vperm.xlane v3, v0;
	_ =	sdelay $0x1  }
0x111: {  	v3 =	vperm.xlane v3, v2;
	v4 =	vadd.s32 v1, v4;
	_ =	sdelay $0x1  }
0x112: {  	v3 =	vadd.s32 v1, v3;
	_ =	sdelay $0x2  }
0x113: {  	[tilespmem:s31], [sflag:$0x1] =	stream.indirect_vreg.gather [hbm4b:s1+s3], $0x80, v4, vm0, $0xb8;
	[tilespmem:$0x10200] =	vst v63  }
0x114: {  	_ = 	snop  }
0x115: {  	[tilespmem:s2], [sflag:$0x1] =	stream.indirect_vreg.gather [hbm4b:s1+s3], $0x80, v3, vm0, $0xb8;
	[tilespmem:$0x10200] =	vst v63  }
0x116: {  	_ =	swait.ge [sflag:s15], $0x8000  }
0x117: {  	[sflag:s15] =	ssyncset.done $0x0  }
0x118: {  	s2 =	rddreg [dreg:$0x5];
	[sflag:s15] =	ssyncadd.s32 $0xFFFF8000  }
0x119: {  	[hbm4b:s2+s3] =	stream.linear.scatter [tilespmem:s0], [sflag:$0x3], $0x8000, $0x38;
	[tilespmem:$0x10200] =	vst v63  }
0x11a: {  	_ =	swait.ge [sflag:s6], $0x8000  }
0x11b: {  	[sflag:s6] =	ssyncset.done $0x0  }
0x11c: {  	[sflag:s6] =	ssyncadd.s32 $0xFFFF8000  }
0x11d: {  	v3 =	vld [tilespmem:$0x180];
	_ =	sdelay $0x4  }
0x11e: {  	v56 =	vshll.u32 v3, $0x1  }
0x11f: {  	v3 =	vand.u32 $0x7, v3;
	v4 =	vand.u32 $0xFFFFFFF0, v56  }
0x120: {  	v3 =	vor.u32 v3, v4  }
0x121: {  	v4 =	vperm.xlane v3, v0;
	_ =	sdelay $0x1  }
0x122: {  	v3 =	vperm.xlane v3, v2;
	v4 =	vadd.s32 v1, v4;
	_ =	sdelay $0x1  }
0x123: {  	v3 =	vadd.s32 v1, v3;
	_ =	sdelay $0x2  }
0x124: {  	[tilespmem:s0], [sflag:$0x2] =	stream.indirect_vreg.gather [hbm4b:s1+s3], $0x80, v4, vm0, $0xb8;
	[tilespmem:$0x10200] =	vst v63  }
0x125: {  	_ = 	snop  }
0x126: {  	[tilespmem:s23], [sflag:$0x2] =	stream.indirect_vreg.gather [hbm4b:s1+s3], $0x80, v3, vm0, $0xb8;
	[tilespmem:$0x10200] =	vst v63  }
0x127: {  	v3 =	vld [tilespmem:$0x190];
	_ =	sdelay $0x4  }
0x128: {  	v57 =	vshll.u32 v3, $0x1  }
0x129: {  	v3 =	vand.u32 $0x7, v3;
	v4 =	vand.u32 $0xFFFFFFF0, v57  }
0x12a: {  	v3 =	vor.u32 v3, v4  }
0x12b: {  	v4 =	vperm.xlane v3, v0;
	_ =	sdelay $0x1  }
0x12c: {  	v3 =	vperm.xlane v3, v2;
	v4 =	vadd.s32 v1, v4;
	_ =	sdelay $0x1  }
0x12d: {  	v3 =	vadd.s32 v1, v3;
	_ =	sdelay $0x2  }
0x12e: {  	[tilespmem:s8], [sflag:$0x2] =	stream.indirect_vreg.gather [hbm4b:s1+s3], $0x80, v4, vm0, $0xb8;
	[tilespmem:$0x10200] =	vst v63  }
0x12f: {  	_ = 	snop  }
0x130: {  	[tilespmem:s9], [sflag:$0x2] =	stream.indirect_vreg.gather [hbm4b:s1+s3], $0x80, v3, vm0, $0xb8;
	[tilespmem:$0x10200] =	vst v63  }
0x131: {  	v3 =	vld [tilespmem:$0x1A0];
	_ =	sdelay $0x4  }
0x132: {  	v58 =	vshll.u32 v3, $0x1  }
0x133: {  	v3 =	vand.u32 $0x7, v3;
	v4 =	vand.u32 $0xFFFFFFF0, v58  }
0x134: {  	v3 =	vor.u32 v3, v4  }
0x135: {  	v4 =	vperm.xlane v3, v0;
	_ =	sdelay $0x1  }
0x136: {  	v3 =	vperm.xlane v3, v2;
	v4 =	vadd.s32 v1, v4;
	_ =	sdelay $0x1  }
0x137: {  	v3 =	vadd.s32 v1, v3;
	_ =	sdelay $0x2  }
0x138: {  	[tilespmem:s10], [sflag:$0x2] =	stream.indirect_vreg.gather [hbm4b:s1+s3], $0x80, v4, vm0, $0xb8;
	[tilespmem:$0x10200] =	vst v63  }
0x139: {  	_ = 	snop  }
0x13a: {  	[tilespmem:s11], [sflag:$0x2] =	stream.indirect_vreg.gather [hbm4b:s1+s3], $0x80, v3, vm0, $0xb8;
	[tilespmem:$0x10200] =	vst v63  }
0x13b: {  	v3 =	vld [tilespmem:$0x1B0];
	_ =	sdelay $0x4  }
0x13c: {  	v59 =	vshll.u32 v3, $0x1  }
0x13d: {  	v3 =	vand.u32 $0x7, v3;
	v4 =	vand.u32 $0xFFFFFFF0, v59  }
0x13e: {  	v3 =	vor.u32 v3, v4  }
0x13f: {  	v4 =	vperm.xlane v3, v0;
	_ =	sdelay $0x1  }
0x140: {  	v3 =	vperm.xlane v3, v2;
	v4 =	vadd.s32 v1, v4;
	_ =	sdelay $0x1  }
0x141: {  	v3 =	vadd.s32 v1, v3;
	_ =	sdelay $0x1  }
0x142: {  	s16 =	simm.s32 $0xB200  }
0x143: {  	[tilespmem:s16], [sflag:$0x2] =	stream.indirect_vreg.gather [hbm4b:s1+s3], $0x80, v4, vm0, $0xb8;
	[tilespmem:$0x10200] =	vst v63  }
0x144: {  	_ = 	snop  }
0x145: {  	[tilespmem:s13], [sflag:$0x2] =	stream.indirect_vreg.gather [hbm4b:s1+s3], $0x80, v3, vm0, $0xb8;
	[tilespmem:$0x10200] =	vst v63  }
0x146: {  	v3 =	vld [tilespmem:$0x1C0];
	_ =	sdelay $0x4  }
0x147: {  	v60 =	vshll.u32 v3, $0x1  }
0x148: {  	v3 =	vand.u32 $0x7, v3;
	v4 =	vand.u32 $0xFFFFFFF0, v60  }
0x149: {  	v3 =	vor.u32 v3, v4  }
0x14a: {  	v4 =	vperm.xlane v3, v0;
	_ =	sdelay $0x1  }
0x14b: {  	v3 =	vperm.xlane v3, v2;
	v4 =	vadd.s32 v1, v4;
	_ =	sdelay $0x1  }
0x14c: {  	v3 =	vadd.s32 v1, v3;
	_ =	sdelay $0x2  }
0x14d: {  	[tilespmem:s7], [sflag:$0x2] =	stream.indirect_vreg.gather [hbm4b:s1+s3], $0x80, v4, vm0, $0xb8;
	[tilespmem:$0x10200] =	vst v63  }
0x14e: {  	s16 =	simm.s32 $0xCA00  }
0x14f: {  	[tilespmem:s16], [sflag:$0x2] =	stream.indirect_vreg.gather [hbm4b:s1+s3], $0x80, v3, vm0, $0xb8;
	[tilespmem:$0x10200] =	vst v63  }
0x150: {  	v3 =	vld [tilespmem:$0x1D0];
	_ =	sdelay $0x4  }
0x151: {  	v61 =	vshll.u32 v3, $0x1  }
0x152: {  	v3 =	vand.u32 $0x7, v3;
	v4 =	vand.u32 $0xFFFFFFF0, v61  }
0x153: {  	v3 =	vor.u32 v3, v4  }
0x154: {  	v4 =	vperm.xlane v3, v0;
	_ =	sdelay $0x1  }
0x155: {  	v3 =	vperm.xlane v3, v2;
	v4 =	vadd.s32 v1, v4;
	_ =	sdelay $0x1  }
0x156: {  	v3 =	vadd.s32 v1, v3;
	_ =	sdelay $0x1  }
0x157: {  	s7 =	simm.s32 $0xD200  }
0x158: {  	[tilespmem:s7], [sflag:$0x2] =	stream.indirect_vreg.gather [hbm4b:s1+s3], $0x80, v4, vm0, $0xb8;
	[tilespmem:$0x10200] =	vst v63  }
0x159: {  	s16 =	simm.s32 $0xDA00  }
0x15a: {  	[tilespmem:s16], [sflag:$0x2] =	stream.indirect_vreg.gather [hbm4b:s1+s3], $0x80, v3, vm0, $0xb8;
	[tilespmem:$0x10200] =	vst v63  }
0x15b: {  	v3 =	vld [tilespmem:$0x1E0];
	_ =	sdelay $0x4  }
0x15c: {  	v62 =	vshll.u32 v3, $0x1  }
0x15d: {  	v3 =	vand.u32 $0x7, v3;
	v4 =	vand.u32 $0xFFFFFFF0, v62  }
0x15e: {  	v3 =	vor.u32 v3, v4  }
0x15f: {  	v4 =	vperm.xlane v3, v0;
	_ =	sdelay $0x1  }
0x160: {  	v3 =	vperm.xlane v3, v2;
	v4 =	vadd.s32 v1, v4;
	_ =	sdelay $0x1  }
0x161: {  	v3 =	vadd.s32 v1, v3;
	_ =	sdelay $0x1  }
0x162: {  	s7 =	simm.s32 $0xE200  }
0x163: {  	[tilespmem:s7], [sflag:$0x2] =	stream.indirect_vreg.gather [hbm4b:s1+s3], $0x80, v4, vm0, $0xb8;
	[tilespmem:$0x10200] =	vst v63  }
0x164: {  	s16 =	simm.s32 $0xEA00  }
0x165: {  	[tilespmem:s16], [sflag:$0x2] =	stream.indirect_vreg.gather [hbm4b:s1+s3], $0x80, v3, vm0, $0xb8;
	[tilespmem:$0x10200] =	vst v63  }
0x166: {  	v3 =	vld [tilespmem:$0x1F0];
	_ =	sdelay $0x4  }
0x167: {  	v63 =	vshll.u32 v3, $0x1  }
0x168: {  	v3 =	vand.u32 $0x7, v3;
	v4 =	vand.u32 $0xFFFFFFF0, v63  }
0x169: {  	v3 =	vor.u32 v3, v4  }
0x16a: {  	v4 =	vperm.xlane v3, v0;
	_ =	sdelay $0x1  }
0x16b: {  	v3 =	vperm.xlane v3, v2;
	v4 =	vadd.s32 v1, v4;
	_ =	sdelay $0x1  }
0x16c: {  	v3 =	vadd.s32 v1, v3;
	_ =	sdelay $0x1  }
0x16d: {  	s7 =	simm.s32 $0xF200  }
0x16e: {  	[tilespmem:s7], [sflag:$0x2] =	stream.indirect_vreg.gather [hbm4b:s1+s3], $0x80, v4, vm0, $0xb8;
	[tilespmem:$0x10200] =	vst v63  }
0x16f: {  	s16 =	simm.s32 $0xFA00  }
0x170: {  	[tilespmem:s16], [sflag:$0x2] =	stream.indirect_vreg.gather [hbm4b:s1+s3], $0x80, v3, vm0, $0xb8;
	[tilespmem:$0x10200] =	vst v63  }
0x171: {  	_ =	swait.ge [sflag:s4], $0x8000  }
0x172: {  	[sflag:s4] =	ssyncset.done $0x0  }
0x173: {  	s12 =	simm.s32 $0x200;
	s7 =	rddreg [dreg:$0x6];
	[sflag:s4] =	ssyncadd.s32 $0xFFFF8000  }
0x174: {  	[hbm4b:s7+s3] =	stream.linear.scatter [tilespmem:s12], [sflag:$0x3], $0x8000, $0x38;
	[tilespmem:$0x10200] =	vst v63  }
0x175: {  	_ =	swait.ge [sflag:s6], $0x8000  }
0x176: {  	[sflag:s6] =	ssyncset.done $0x0  }
0x177: {  	[sflag:s6] =	ssyncadd.s32 $0xFFFF8000  }
0x178: {  	_ =	swait.ge [sflag:s15], $0x8000  }
0x179: {  	p0 =	sne.s32 s5, $0x1;
	[sflag:s15] =	ssyncset.done $0x0  }
.Ltmp0:
0x17a: {  	s12 =	rddreg [dreg:$0x7];
	[sflag:s15] =	ssyncadd.s32 $0xFFFF8000;
	(pc) =	sbr.rel @p0 .LBB2_1-.Ltmp0, $4  }
0x17b: {  	[hbm4b:s12+s3] =	stream.linear.scatter [tilespmem:s0], [sflag:$0x3], $0x8000, $0x38;
	[tilespmem:$0x10200] =	vst v63  }
0x17c: {  	_ =	swait.ge [sflag:s6], $0x8000  }
0x17d: {  	[sflag:s6] =	ssyncset.done $0x0  }
0x17e: {  	s5 =	sadd.s32 $0xFFFFFFFF, s5;
	[sflag:s6] =	ssyncadd.s32 $0xFFFF8000  }
0x17f: {  	_ =	sfence.sel $0x180000  }
0x180: {  	[bflag:$0x0] =	sbarrier.arrive $0xFFFF  }
0x181: {  	_ =	strace $0x90000047  }
0x182: {  	s0 =	stileid.u32;
	[bflag:$0x2] =	sbarrier.arrive $0xFFFF  }
0x183: {  	p0 =	sne.s32 s0, $0x0;
	s0 =	rddreg [dreg:$0x3]  }
0x184: {  	s0 =	sadd.s32 @!p0 $0x100000, s0  }
0x185: {  	[sflag:s0] =	ssyncadd.tile.s32 @!p0 $0x1;
	_ =	shalt  }
.Lfunc_end2:
_tile_overlayer_lowered:
.L_overlay_start_2:
0x186: {  	(tag) =	ssettag $0x2  }
0x187: {  	s0 =	rddreg [dreg:$0x0];
	s2 =	stileid.u32  }
0x188: {  	s1 =	rddreg [dreg:$0x1];
	p0 =	sne.s32 s2, $0x0  }
0x189: {  	s3 =	rddreg [dreg:$0x2];
	[bflag:$0x3] =	sbarrier.arrive $0xFFFF;
	s2 =	simm.s32 @!p0 $0x1C03  }
0x18a: {  	[timem:s3], [sflag:s2] =	dma.local @!p0 [hbm:s0], s1  }
0x18b: {  	s0 =	simm.s32 @!p0 $0x3  }
0x18c: {  	_ =	swait.ge @!p0 [sflag:s0], s1  }
0x18d: {  	s1 =	ssub.s32 @!p0 $0x0, s1;
	[sflag:s0] =	ssyncset.done @!p0 $0x0  }
0x18e: {  	[sflag:s0] =	ssyncadd.s32 @!p0 s1  }
0x18f: {  	[bflag:$0x3] =	sbarrier.arrive $0xFFFF  }
0x190: {  	_ =	shalt  }

</sc_bundles>
